<compile_context>
chip_gen: v7x
topology: tpu7x:2x2x1
jax: 0.10.2.dev20260603
libtpu: 0.0.44.dev20260713+nightly
codegen_flags: <defaults>
</compile_context>

<pallas_src>
import functools

import jax
import jax.numpy as jnp
from jax import lax
from jax.experimental import pallas as pl
from jax.experimental.pallas import tpu as pltpu
from jax.experimental.pallas import tpu_sc as plsc

B, N, D, C, NC = 8, 2048, 3, 768, 1000
QB = 2048
NQ = N // QB
NW = 32
ROWS_PER_W = (B * N) // NW


def _nn_kernel(qT_ref, kT_ref, idx_ref, counts_ref):
    qi = pl.program_id(1)
    lane_biased = lax.broadcasted_iota(jnp.int32, (QB, N), 1) + 0x08000000
    dists = None
    for d in range(D):
        qrow = qT_ref[0, d:d + 1, pl.ds(qi * QB, QB)]
        qc = jnp.transpose(qrow, (1, 0))
        kr = kT_ref[0, d:d + 1, :]
        t = jnp.abs(qc - kr)
        dists = t if dists is None else dists + t
    bits = lax.bitcast_convert_type(dists, jnp.int32)
    packed = lax.bitcast_convert_type((bits & -2048) + lane_biased,
                                      jnp.float32)
    pmin = jnp.min(packed, axis=1, keepdims=True)
    idx_col = lax.bitcast_convert_type(pmin, jnp.int32) & 2047
    idx_ref[0, 0, 0] = jnp.transpose(idx_col, (1, 0))[0]
    onehot = (packed == pmin).astype(jnp.float32)

    @pl.when(qi == 0)
    def _():
        counts_ref[...] = jnp.zeros_like(counts_ref)

    counts_ref[0] += jnp.sum(onehot, axis=0, keepdims=True)


def _gather_body(idx_hbm, tableT_hbm, out_hbm, idx_v, coords_v, out_v):
    wid = lax.axis_index("s") * 2 + lax.axis_index("c")
    b = wid // (N // ROWS_PER_W)
    base = wid * ROWS_PER_W
    pltpu.sync_copy(tableT_hbm.at[pl.ds(b * D * N, D * N)], coords_v)
    pltpu.sync_copy(idx_hbm.at[pl.ds(base, ROWS_PER_W)], idx_v)
    lane128 = lax.iota(jnp.int32, 16) * 128
    for t in range(ROWS_PER_W // 16):
        iv = idx_v[pl.ds(t * 16, 16)]
        for d in range(D):
            vals = plsc.load_gather(coords_v, [iv + d * N])
            plsc.store_scatter(out_v, [lane128 + (t * 2048 + d)], vals)
    pltpu.sync_copy(out_v, out_hbm.at[pl.ds(base * 128, ROWS_PER_W * 128)])


def _head_kernel(counts_ref, feat_ref, w1_ref, b1_ref, w2_ref, b2_ref,
                 w3_ref, b3_ref, out_ref, pooled_ref):
    b = pl.program_id(0)
    pooled = jnp.dot(counts_ref[0], feat_ref[0],
                     preferred_element_type=jnp.float32,
                     precision=jax.lax.Precision.HIGHEST) * (1.0 / N)
    pooled_ref[pl.ds(b, 1), :] = pooled

    @pl.when(b == B - 1)
    def _():
        p = pooled_ref[...]
        h = jax.nn.relu(jnp.dot(p, w1_ref[...],
                                preferred_element_type=jnp.float32,
                                precision=jax.lax.Precision.HIGHEST) + b1_ref[...])
        h = jax.nn.relu(jnp.dot(h, w2_ref[...],
                                preferred_element_type=jnp.float32,
                                precision=jax.lax.Precision.HIGHEST) + b2_ref[...])
        out_ref[...] = jnp.dot(h, w3_ref[...],
                               preferred_element_type=jnp.float32,
                               precision=jax.lax.Precision.HIGHEST) + b3_ref[...]


@functools.partial(
    pl.kernel,
    mesh=plsc.VectorSubcoreMesh(core_axis_name="c", subcore_axis_name="s"),
    out_type=jax.ShapeDtypeStruct((B * N * 128,), jnp.float32),
    scratch_types=[
        pltpu.VMEM((ROWS_PER_W,), jnp.int32),
        pltpu.VMEM((D * N,), jnp.float32),
        pltpu.VMEM((ROWS_PER_W * 128,), jnp.float32),
    ],
    compiler_params=pltpu.CompilerParams(needs_layout_passes=False),
)
def _sc_gather(idx_hbm, tableT_hbm, out_hbm, idx_v, coords_v, out_v):
    _gather_body(idx_hbm, tableT_hbm, out_hbm, idx_v, coords_v, out_v)


@jax.jit
def kernel(pos_org, pos_shuffled, feat, W1, b1, W2, b2, W3, b3):
    posT_org = jnp.transpose(pos_org, (0, 2, 1))
    posT_shuf = jnp.transpose(pos_shuffled, (0, 2, 1))

    idxl, counts = pl.pallas_call(
        _nn_kernel,
        grid=(B, NQ),
        in_specs=[
            pl.BlockSpec((1, D, N), lambda b, q: (b, 0, 0)),
            pl.BlockSpec((1, D, N), lambda b, q: (b, 0, 0)),
        ],
        out_specs=[
            pl.BlockSpec((1, 1, 1, QB), lambda b, q: (b, q, 0, 0)),
            pl.BlockSpec((1, 1, N), lambda b, q: (b, 0, 0)),
        ],
        out_shape=[
            jax.ShapeDtypeStruct((B, NQ, 1, QB), jnp.int32),
            jax.ShapeDtypeStruct((B, 1, N), jnp.float32),
        ],
    )(posT_org, posT_shuf)

    pos_g_wide = _sc_gather(idxl.reshape(B * N), posT_shuf.reshape(B * D * N))
    pos_g = pos_g_wide.reshape(B, N, 128)[:, :, :D]

    out = pl.pallas_call(
        _head_kernel,
        grid=(B,),
        in_specs=[
            pl.BlockSpec((1, 1, N), lambda b: (b, 0, 0)),
            pl.BlockSpec((1, N, C), lambda b: (b, 0, 0)),
            pl.BlockSpec((C, C), lambda b: (0, 0)),
            pl.BlockSpec((1, C), lambda b: (0, 0)),
            pl.BlockSpec((C, C), lambda b: (0, 0)),
            pl.BlockSpec((1, C), lambda b: (0, 0)),
            pl.BlockSpec((C, NC), lambda b: (0, 0)),
            pl.BlockSpec((1, NC), lambda b: (0, 0)),
        ],
        out_specs=pl.BlockSpec((B, NC), lambda b: (0, 0)),
        out_shape=jax.ShapeDtypeStruct((B, NC), jnp.float32),
        scratch_shapes=[pltpu.VMEM((B, C), jnp.float32)],
    )(counts, feat, W1, b1.reshape(1, C), W2, b2.reshape(1, C),
      W3, b3.reshape(1, NC))

    return out, pos_g

# --- scband reference (transcript-rebuilt; emitter-appended) ---
"""Pipeline reference for scband-up-down-backbone-58617713656050 (READ-ONLY COPY).

The authoritative reference and input builder live on the scoring server;
editing this copy changes nothing except your own understanding.
"""

import jax, jax.numpy as jnp
import numpy as np

B, N, D, C, NC = 8, 2048, 3, 768, 1000


def _mlp(x, W1, b1, W2, b2, W3, b3):
    # MLP(input_dim=C, hidden_dim=C, output_dim=NC, num_layers=3): relu on all but last layer
    h = jax.nn.relu(x @ W1 + b1)
    h = jax.nn.relu(h @ W2 + b2)
    return h @ W3 + b3


def setup_inputs(seed: int = 0) -> dict:
    key = jax.random.key(seed)
    ks = jax.random.split(key, 10)
    pos_org = jax.random.uniform(ks[0], (B, N, D), dtype=jnp.float32)
    # pos_shuffled is a per-batch permutation of pos_org (as produced by a token-shuffling backbone)
    perm = jax.vmap(lambda k: jax.random.permutation(k, N))(jax.random.split(ks[1], B))
    pos_shuffled = jnp.take_along_axis(pos_org, perm[..., None], axis=1)
    feat = jax.random.normal(ks[2], (B, N, C), dtype=jnp.float32)
    # head MLP params, trunc_normal std=0.02 approximated by normal*0.02, zero bias
    W1 = 0.02 * jax.random.normal(ks[3], (C, C), dtype=jnp.float32)
    b1 = jnp.zeros((C,), dtype=jnp.float32)
    W2 = 0.02 * jax.random.normal(ks[4], (C, C), dtype=jnp.float32)
    b2 = jnp.zeros((C,), dtype=jnp.float32)
    W3 = 0.02 * jax.random.normal(ks[5], (C, NC), dtype=jnp.float32)
    b3 = jnp.zeros((NC,), dtype=jnp.float32)
    return {"pos_org": pos_org, "pos_shuffled": pos_shuffled, "feat": feat,
            "W1": W1, "b1": b1, "W2": W2, "b2": b2, "W3": W3, "b3": b3}


def reference(pos_org, pos_shuffled, feat, W1, b1, W2, b2, W3, b3):
    # find_pos_org_order: torch.cdist(p=1) + argmin over dim 2 (1-NN retrieval)
    dists = jnp.zeros((B, N, N), dtype=jnp.float32)
    for i in range(D):
        dists = dists + jnp.abs(pos_org[:, :, None, i] - pos_shuffled[:, None, :, i])
    pos_indices = jnp.argmin(dists, axis=2)  # [B, N]
    # feat = feat[b_, pos_indices]; feat_pos = feat_pos[b_, pos_indices]
    feat_g = jnp.take_along_axis(feat, pos_indices[..., None], axis=1)
    pos_g = jnp.take_along_axis(pos_shuffled, pos_indices[..., None], axis=1)
    # out_scale_vectors = output[...].mean(1); out = self.head(out_scale_vectors)
    pooled = feat_g.mean(axis=1)
    out = _mlp(pooled, W1, b1, W2, b2, W3, b3)
    return out, pos_g

if __name__ == "__main__":
    import jax
    _d = setup_inputs()
    print(jax.jit(kernel)(*tuple(_d.values())))

</pallas_src>

<mosaic_0001>
#map = affine_map<(d0, d1) -> (0)>
module attributes {stable_mosaic.version = 14 : i64} {
  func.func @_sc_gather(%arg0: i32, %arg1: i32, %arg2: memref<16384xi32, #tpu.memory_space<hbm>>, %arg3: memref<49152xf32, #tpu.memory_space<hbm>>, %arg4: memref<2097152xf32, #tpu.memory_space<hbm>>, %arg5: memref<512xi32, #tpu.memory_space<vmem>>, %arg6: memref<6144xf32, #tpu.memory_space<vmem>>, %arg7: memref<65536xf32, #tpu.memory_space<vmem>>) attributes {dimension_semantics = [#tpu.dimension_semantics<core_parallel>, #tpu.dimension_semantics<subcore_parallel>], iteration_bounds = array<i64: 2, 16>, scalar_prefetch = 0 : i64, scratch_operands = 3 : i64, tpu.core_type = #tpu.core_type<sc_vector_subcore>, window_params = [{transform_indices = #map}, {transform_indices = #map}, {transform_indices = #map}]} {
    %mul3A = arith.constant 2 : i32
    %mul3A_0 = arith.muli %arg1, %mul3A : i32
    %add3A = arith.addi %mul3A_0, %arg0 : i32
    %jit3A = arith.constant 4 : i32
    %div3A = arith.divsi %add3A, %jit3A : i32
    %sign3A = arith.constant 0 : i32
    %sign3A_1 = arith.cmpi sgt, %add3A, %sign3A : i32
    %sign3A_2 = arith.extui %sign3A_1 : i1 to i32
    %sign3A_3 = arith.constant 0 : i32
    %sign3A_4 = arith.cmpi slt, %add3A, %sign3A_3 : i32
    %sign3A_5 = arith.extui %sign3A_4 : i1 to i32
    %sign3A_6 = arith.subi %sign3A_2, %sign3A_5 : i32
    %sign3A_7 = arith.constant 0 : i32
    %sign3A_8 = arith.cmpi sgt, %jit3A, %sign3A_7 : i32
    %sign3A_9 = arith.extui %sign3A_8 : i1 to i32
    %sign3A_10 = arith.constant 0 : i32
    %sign3A_11 = arith.cmpi slt, %jit3A, %sign3A_10 : i32
    %sign3A_12 = arith.extui %sign3A_11 : i1 to i32
    %sign3A_13 = arith.subi %sign3A_9, %sign3A_12 : i32
    %ne3A = arith.cmpi ne, %sign3A_6, %sign3A_13 : i32
    %rem3A = arith.remsi %add3A, %jit3A : i32
    %ne3A_14 = arith.constant 0 : i32
    %ne3A_15 = arith.cmpi ne, %rem3A, %ne3A_14 : i32
    %and3A = arith.andi %ne3A, %ne3A_15 : i1
    %sub3A = arith.constant 1 : i32
    %sub3A_16 = arith.subi %div3A, %sub3A : i32
    %select_n3A = arith.select %and3A, %sub3A_16, %div3A : i32
    %mul3A_17 = arith.constant 512 : i32
    %mul3A_18 = arith.muli %add3A, %mul3A_17 : i32
    %mul3A_19 = arith.constant 3 : i32
    %mul3A_20 = arith.muli %select_n3A, %mul3A_19 : i32
    %mul3A_21 = arith.constant 2048 : i32
    %mul3A_22 = arith.muli %mul3A_20, %mul3A_21 : i32
    "tpu.region"() ({
      %run_scoped3A = tpu.sem_alloc : memref<!tpu.dma_semaphore, #tpu.memory_space<semaphore_mem>>
      %dma_start3A = tpu.memref_slice %arg3[%mul3A_22] : memref<49152xf32, #tpu.memory_space<hbm>> -> memref<6144xf32, #tpu.memory_space<hbm>>
      %dma_start3A_762 = tpu.memref_slice %arg3[%mul3A_22] : memref<49152xf32, #tpu.memory_space<hbm>> -> memref<6144xf32, #tpu.memory_space<hbm>>
      tpu.enqueue_dma source(%dma_start3A_762 : memref<6144xf32, #tpu.memory_space<hbm>>) target(%arg6 : memref<6144xf32, #tpu.memory_space<vmem>>) target_semaphore(%run_scoped3A : memref<!tpu.dma_semaphore, #tpu.memory_space<semaphore_mem>>)
      %dma_wait3A = tpu.memref_slice %arg3[%mul3A_22] : memref<49152xf32, #tpu.memory_space<hbm>> -> memref<6144xf32, #tpu.memory_space<hbm>>
      %dma_wait3A_763 = tpu.memref_slice %arg3[%mul3A_22] : memref<49152xf32, #tpu.memory_space<hbm>> -> memref<6144xf32, #tpu.memory_space<hbm>>
      tpu.wait_dma2 semaphore(%run_scoped3A : memref<!tpu.dma_semaphore, #tpu.memory_space<semaphore_mem>>) src(%dma_wait3A_763 : memref<6144xf32, #tpu.memory_space<hbm>>) dst(%arg6 : memref<6144xf32, #tpu.memory_space<vmem>>)
      tpu.yield
    }) : () -> ()
    "tpu.region"() ({
      %run_scoped3A = tpu.sem_alloc : memref<!tpu.dma_semaphore, #tpu.memory_space<semaphore_mem>>
      %dma_start3A = tpu.memref_slice %arg2[%mul3A_18] : memref<16384xi32, #tpu.memory_space<hbm>> -> memref<512xi32, #tpu.memory_space<hbm>>
      %dma_start3A_762 = tpu.memref_slice %arg2[%mul3A_18] : memref<16384xi32, #tpu.memory_space<hbm>> -> memref<512xi32, #tpu.memory_space<hbm>>
      tpu.enqueue_dma source(%dma_start3A_762 : memref<512xi32, #tpu.memory_space<hbm>>) target(%arg5 : memref<512xi32, #tpu.memory_space<vmem>>) target_semaphore(%run_scoped3A : memref<!tpu.dma_semaphore, #tpu.memory_space<semaphore_mem>>)
      %dma_wait3A = tpu.memref_slice %arg2[%mul3A_18] : memref<16384xi32, #tpu.memory_space<hbm>> -> memref<512xi32, #tpu.memory_space<hbm>>
      %dma_wait3A_763 = tpu.memref_slice %arg2[%mul3A_18] : memref<16384xi32, #tpu.memory_space<hbm>> -> memref<512xi32, #tpu.memory_space<hbm>>
      tpu.wait_dma2 semaphore(%run_scoped3A : memref<!tpu.dma_semaphore, #tpu.memory_space<semaphore_mem>>) src(%dma_wait3A_763 : memref<512xi32, #tpu.memory_space<hbm>>) dst(%arg5 : memref<512xi32, #tpu.memory_space<vmem>>)
      tpu.yield
    }) : () -> ()
    %iota3A = tpu.iota {dimensions = array<i32: 0>} : vector<16xi32>
    %mul3A_23 = arith.constant 128 : i32
    %mul3A_24 = vector.broadcast %mul3A_23 : i32 to vector<16xi32>
    %mul3A_25 = arith.muli %iota3A, %mul3A_24 : vector<16xi32>
    %get3A = arith.constant 0 : index
    %get3A_26 = tpu.vector_load %arg5[%get3A] {strides = array<i32>} : memref<512xi32, #tpu.memory_space<vmem>>, vector<16xi32>,
    %add3A_27 = arith.constant 0 : i32
    %add3A_28 = vector.broadcast %add3A_27 : i32 to vector<16xi32>
    %add3A_29 = arith.addi %get3A_26, %add3A_28 : vector<16xi32>
    %gather3A = tpu.vector_load_idx %arg6[%add3A_29] : memref<6144xf32, #tpu.memory_space<vmem>>[vector<16xi32>], vector<16xf32>,
    %add3A_30 = arith.constant 0 : i32
    %add3A_31 = vector.broadcast %add3A_30 : i32 to vector<16xi32>
    %add3A_32 = arith.addi %mul3A_25, %add3A_31 : vector<16xi32>
    tpu.vector_store_idx %arg7[%add3A_32], %gather3A : memref<65536xf32, #tpu.memory_space<vmem>>[vector<16xi32>], vector<16xf32>,
    %add3A_33 = arith.constant 2048 : i32
    %add3A_34 = vector.broadcast %add3A_33 : i32 to vector<16xi32>
    %add3A_35 = arith.addi %get3A_26, %add3A_34 : vector<16xi32>
    %gather3A_36 = tpu.vector_load_idx %arg6[%add3A_35] : memref<6144xf32, #tpu.memory_space<vmem>>[vector<16xi32>], vector<16xf32>,
    %add3A_37 = arith.constant 1 : i32
    %add3A_38 = vector.broadcast %add3A_37 : i32 to vector<16xi32>
    %add3A_39 = arith.addi %mul3A_25, %add3A_38 : vector<16xi32>
    tpu.vector_store_idx %arg7[%add3A_39], %gather3A_36 : memref<65536xf32, #tpu.memory_space<vmem>>[vector<16xi32>], vector<16xf32>,
    %add3A_40 = arith.constant 4096 : i32
    %add3A_41 = vector.broadcast %add3A_40 : i32 to vector<16xi32>
    %add3A_42 = arith.addi %get3A_26, %add3A_41 : vector<16xi32>
    %gather3A_43 = tpu.vector_load_idx %arg6[%add3A_42] : memref<6144xf32, #tpu.memory_space<vmem>>[vector<16xi32>], vector<16xf32>,
    %add3A_44 = arith.constant 2 : i32
    %add3A_45 = vector.broadcast %add3A_44 : i32 to vector<16xi32>
    %add3A_46 = arith.addi %mul3A_25, %add3A_45 : vector<16xi32>
    tpu.vector_store_idx %arg7[%add3A_46], %gather3A_43 : memref<65536xf32, #tpu.memory_space<vmem>>[vector<16xi32>], vector<16xf32>,
    %get3A_47 = arith.constant 16 : index
    %get3A_48 = tpu.vector_load %arg5[%get3A_47] {strides = array<i32>} : memref<512xi32, #tpu.memory_space<vmem>>, vector<16xi32>,
    %add3A_49 = arith.constant 0 : i32
    %add3A_50 = vector.broadcast %add3A_49 : i32 to vector<16xi32>
    %add3A_51 = arith.addi %get3A_48, %add3A_50 : vector<16xi32>
    %gather3A_52 = tpu.vector_load_idx %arg6[%add3A_51] : memref<6144xf32, #tpu.memory_space<vmem>>[vector<16xi32>], vector<16xf32>,
    %add3A_53 = arith.constant 2048 : i32
    %add3A_54 = vector.broadcast %add3A_53 : i32 to vector<16xi32>
    %add3A_55 = arith.addi %mul3A_25, %add3A_54 : vector<16xi32>
    tpu.vector_store_idx %arg7[%add3A_55], %gather3A_52 : memref<65536xf32, #tpu.memory_space<vmem>>[vector<16xi32>], vector<16xf32>,
    %add3A_56 = arith.constant 2048 : i32
    %add3A_57 = vector.broadcast %add3A_56 : i32 to vector<16xi32>
    %add3A_58 = arith.addi %get3A_48, %add3A_57 : vector<16xi32>
    %gather3A_59 = tpu.vector_load_idx %arg6[%add3A_58] : memref<6144xf32, #tpu.memory_space<vmem>>[vector<16xi32>], vector<16xf32>,
    %add3A_60 = arith.constant 2049 : i32
    %add3A_61 = vector.broadcast %add3A_60 : i32 to vector<16xi32>
    %add3A_62 = arith.addi %mul3A_25, %add3A_61 : vector<16xi32>
    tpu.vector_store_idx %arg7[%add3A_62], %gather3A_59 : memref<65536xf32, #tpu.memory_space<vmem>>[vector<16xi32>], vector<16xf32>,
    %add3A_63 = arith.constant 4096 : i32
    %add3A_64 = vector.broadcast %add3A_63 : i32 to vector<16xi32>
    %add3A_65 = arith.addi %get3A_48, %add3A_64 : vector<16xi32>
    %gather3A_66 = tpu.vector_load_idx %arg6[%add3A_65] : memref<6144xf32, #tpu.memory_space<vmem>>[vector<16xi32>], vector<16xf32>,
    %add3A_67 = arith.constant 2050 : i32
    %add3A_68 = vector.broadcast %add3A_67 : i32 to vector<16xi32>
    %add3A_69 = arith.addi %mul3A_25, %add3A_68 : vector<16xi32>
    tpu.vector_store_idx %arg7[%add3A_69], %gather3A_66 : memref<65536xf32, #tpu.memory_space<vmem>>[vector<16xi32>], vector<16xf32>,
    %get3A_70 = arith.constant 32 : index
    %get3A_71 = tpu.vector_load %arg5[%get3A_70] {strides = array<i32>} : memref<512xi32, #tpu.memory_space<vmem>>, vector<16xi32>,
    %add3A_72 = arith.constant 0 : i32
    %add3A_73 = vector.broadcast %add3A_72 : i32 to vector<16xi32>
    %add3A_74 = arith.addi %get3A_71, %add3A_73 : vector<16xi32>
    %gather3A_75 = tpu.vector_load_idx %arg6[%add3A_74] : memref<6144xf32, #tpu.memory_space<vmem>>[vector<16xi32>], vector<16xf32>,
    %add3A_76 = arith.constant 4096 : i32
    %add3A_77 = vector.broadcast %add3A_76 : i32 to vector<16xi32>
    %add3A_78 = arith.addi %mul3A_25, %add3A_77 : vector<16xi32>
    tpu.vector_store_idx %arg7[%add3A_78], %gather3A_75 : memref<65536xf32, #tpu.memory_space<vmem>>[vector<16xi32>], vector<16xf32>,
    %add3A_79 = arith.constant 2048 : i32
    %add3A_80 = vector.broadcast %add3A_79 : i32 to vector<16xi32>
    %add3A_81 = arith.addi %get3A_71, %add3A_80 : vector<16xi32>
    %gather3A_82 = tpu.vector_load_idx %arg6[%add3A_81] : memref<6144xf32, #tpu.memory_space<vmem>>[vector<16xi32>], vector<16xf32>,
    %add3A_83 = arith.constant 4097 : i32
    %add3A_84 = vector.broadcast %add3A_83 : i32 to vector<16xi32>
    %add3A_85 = arith.addi %mul3A_25, %add3A_84 : vector<16xi32>
    tpu.vector_store_idx %arg7[%add3A_85], %gather3A_82 : memref<65536xf32, #tpu.memory_space<vmem>>[vector<16xi32>], vector<16xf32>,
    %add3A_86 = arith.constant 4096 : i32
    %add3A_87 = vector.broadcast %add3A_86 : i32 to vector<16xi32>
    %add3A_88 = arith.addi %get3A_71, %add3A_87 : vector<16xi32>
    %gather3A_89 = tpu.vector_load_idx %arg6[%add3A_88] : memref<6144xf32, #tpu.memory_space<vmem>>[vector<16xi32>], vector<16xf32>,
    %add3A_90 = arith.constant 4098 : i32
    %add3A_91 = vector.broadcast %add3A_90 : i32 to vector<16xi32>
    %add3A_92 = arith.addi %mul3A_25, %add3A_91 : vector<16xi32>
    tpu.vector_store_idx %arg7[%add3A_92], %gather3A_89 : memref<65536xf32, #tpu.memory_space<vmem>>[vector<16xi32>], vector<16xf32>,
    %get3A_93 = arith.constant 48 : index
    %get3A_94 = tpu.vector_load %arg5[%get3A_93] {strides = array<i32>} : memref<512xi32, #tpu.memory_space<vmem>>, vector<16xi32>,
    %add3A_95 = arith.constant 0 : i32
    %add3A_96 = vector.broadcast %add3A_95 : i32 to vector<16xi32>
    %add3A_97 = arith.addi %get3A_94, %add3A_96 : vector<16xi32>
    %gather3A_98 = tpu.vector_load_idx %arg6[%add3A_97] : memref<6144xf32, #tpu.memory_space<vmem>>[vector<16xi32>], vector<16xf32>,
    %add3A_99 = arith.constant 6144 : i32
    %add3A_100 = vector.broadcast %add3A_99 : i32 to vector<16xi32>
    %add3A_101 = arith.addi %mul3A_25, %add3A_100 : vector<16xi32>
    tpu.vector_store_idx %arg7[%add3A_101], %gather3A_98 : memref<65536xf32, #tpu.memory_space<vmem>>[vector<16xi32>], vector<16xf32>,
    %add3A_102 = arith.constant 2048 : i32
    %add3A_103 = vector.broadcast %add3A_102 : i32 to vector<16xi32>
    %add3A_104 = arith.addi %get3A_94, %add3A_103 : vector<16xi32>
    %gather3A_105 = tpu.vector_load_idx %arg6[%add3A_104] : memref<6144xf32, #tpu.memory_space<vmem>>[vector<16xi32>], vector<16xf32>,
    %add3A_106 = arith.constant 6145 : i32
    %add3A_107 = vector.broadcast %add3A_106 : i32 to vector<16xi32>
    %add3A_108 = arith.addi %mul3A_25, %add3A_107 : vector<16xi32>
    tpu.vector_store_idx %arg7[%add3A_108], %gather3A_105 : memref<65536xf32, #tpu.memory_space<vmem>>[vector<16xi32>], vector<16xf32>,
    %add3A_109 = arith.constant 4096 : i32
    %add3A_110 = vector.broadcast %add3A_109 : i32 to vector<16xi32>
    %add3A_111 = arith.addi %get3A_94, %add3A_110 : vector<16xi32>
    %gather3A_112 = tpu.vector_load_idx %arg6[%add3A_111] : memref<6144xf32, #tpu.memory_space<vmem>>[vector<16xi32>], vector<16xf32>,
    %add3A_113 = arith.constant 6146 : i32
    %add3A_114 = vector.broadcast %add3A_113 : i32 to vector<16xi32>
    %add3A_115 = arith.addi %mul3A_25, %add3A_114 : vector<16xi32>
    tpu.vector_store_idx %arg7[%add3A_115], %gather3A_112 : memref<65536xf32, #tpu.memory_space<vmem>>[vector<16xi32>], vector<16xf32>,
    %get3A_116 = arith.constant 64 : index
    %get3A_117 = tpu.vector_load %arg5[%get3A_116] {strides = array<i32>} : memref<512xi32, #tpu.memory_space<vmem>>, vector<16xi32>,
    %add3A_118 = arith.constant 0 : i32
    %add3A_119 = vector.broadcast %add3A_118 : i32 to vector<16xi32>
    %add3A_120 = arith.addi %get3A_117, %add3A_119 : vector<16xi32>
    %gather3A_121 = tpu.vector_load_idx %arg6[%add3A_120] : memref<6144xf32, #tpu.memory_space<vmem>>[vector<16xi32>], vector<16xf32>,
    %add3A_122 = arith.constant 8192 : i32
    %add3A_123 = vector.broadcast %add3A_122 : i32 to vector<16xi32>
    %add3A_124 = arith.addi %mul3A_25, %add3A_123 : vector<16xi32>
    tpu.vector_store_idx %arg7[%add3A_124], %gather3A_121 : memref<65536xf32, #tpu.memory_space<vmem>>[vector<16xi32>], vector<16xf32>,
    %add3A_125 = arith.constant 2048 : i32
    %add3A_126 = vector.broadcast %add3A_125 : i32 to vector<16xi32>
    %add3A_127 = arith.addi %get3A_117, %add3A_126 : vector<16xi32>
    %gather3A_128 = tpu.vector_load_idx %arg6[%add3A_127] : memref<6144xf32, #tpu.memory_space<vmem>>[vector<16xi32>], vector<16xf32>,
    %add3A_129 = arith.constant 8193 : i32
    %add3A_130 = vector.broadcast %add3A_129 : i32 to vector<16xi32>
    %add3A_131 = arith.addi %mul3A_25, %add3A_130 : vector<16xi32>
    tpu.vector_store_idx %arg7[%add3A_131], %gather3A_128 : memref<65536xf32, #tpu.memory_space<vmem>>[vector<16xi32>], vector<16xf32>,
    %add3A_132 = arith.constant 4096 : i32
    %add3A_133 = vector.broadcast %add3A_132 : i32 to vector<16xi32>
    %add3A_134 = arith.addi %get3A_117, %add3A_133 : vector<16xi32>
    %gather3A_135 = tpu.vector_load_idx %arg6[%add3A_134] : memref<6144xf32, #tpu.memory_space<vmem>>[vector<16xi32>], vector<16xf32>,
    %add3A_136 = arith.constant 8194 : i32
    %add3A_137 = vector.broadcast %add3A_136 : i32 to vector<16xi32>
    %add3A_138 = arith.addi %mul3A_25, %add3A_137 : vector<16xi32>
    tpu.vector_store_idx %arg7[%add3A_138], %gather3A_135 : memref<65536xf32, #tpu.memory_space<vmem>>[vector<16xi32>], vector<16xf32>,
    %get3A_139 = arith.constant 80 : index
    %get3A_140 = tpu.vector_load %arg5[%get3A_139] {strides = array<i32>} : memref<512xi32, #tpu.memory_space<vmem>>, vector<16xi32>,
    %add3A_141 = arith.constant 0 : i32
    %add3A_142 = vector.broadcast %add3A_141 : i32 to vector<16xi32>
    %add3A_143 = arith.addi %get3A_140, %add3A_142 : vector<16xi32>
    %gather3A_144 = tpu.vector_load_idx %arg6[%add3A_143] : memref<6144xf32, #tpu.memory_space<vmem>>[vector<16xi32>], vector<16xf32>,
    %add3A_145 = arith.constant 10240 : i32
    %add3A_146 = vector.broadcast %add3A_145 : i32 to vector<16xi32>
    %add3A_147 = arith.addi %mul3A_25, %add3A_146 : vector<16xi32>
    tpu.vector_store_idx %arg7[%add3A_147], %gather3A_144 : memref<65536xf32, #tpu.memory_space<vmem>>[vector<16xi32>], vector<16xf32>,
    %add3A_148 = arith.constant 2048 : i32
    %add3A_149 = vector.broadcast %add3A_148 : i32 to vector<16xi32>
    %add3A_150 = arith.addi %get3A_140, %add3A_149 : vector<16xi32>
    %gather3A_151 = tpu.vector_load_idx %arg6[%add3A_150] : memref<6144xf32, #tpu.memory_space<vmem>>[vector<16xi32>], vector<16xf32>,
    %add3A_152 = arith.constant 10241 : i32
    %add3A_153 = vector.broadcast %add3A_152 : i32 to vector<16xi32>
    %add3A_154 = arith.addi %mul3A_25, %add3A_153 : vector<16xi32>
    tpu.vector_store_idx %arg7[%add3A_154], %gather3A_151 : memref<65536xf32, #tpu.memory_space<vmem>>[vector<16xi32>], vector<16xf32>,
    %add3A_155 = arith.constant 4096 : i32
    %add3A_156 = vector.broadcast %add3A_155 : i32 to vector<16xi32>
    %add3A_157 = arith.addi %get3A_140, %add3A_156 : vector<16xi32>
    %gather3A_158 = tpu.vector_load_idx %arg6[%add3A_157] : memref<6144xf32, #tpu.memory_space<vmem>>[vector<16xi32>], vector<16xf32>,
    %add3A_159 = arith.constant 10242 : i32
    %add3A_160 = vector.broadcast %add3A_159 : i32 to vector<16xi32>
    %add3A_161 = arith.addi %mul3A_25, %add3A_160 : vector<16xi32>
    tpu.vector_store_idx %arg7[%add3A_161], %gather3A_158 : memref<65536xf32, #tpu.memory_space<vmem>>[vector<16xi32>], vector<16xf32>,
    %get3A_162 = arith.constant 96 : index
    %get3A_163 = tpu.vector_load %arg5[%get3A_162] {strides = array<i32>} : memref<512xi32, #tpu.memory_space<vmem>>, vector<16xi32>,
    %add3A_164 = arith.constant 0 : i32
    %add3A_165 = vector.broadcast %add3A_164 : i32 to vector<16xi32>
    %add3A_166 = arith.addi %get3A_163, %add3A_165 : vector<16xi32>
    %gather3A_167 = tpu.vector_load_idx %arg6[%add3A_166] : memref<6144xf32, #tpu.memory_space<vmem>>[vector<16xi32>], vector<16xf32>,
    %add3A_168 = arith.constant 12288 : i32
    %add3A_169 = vector.broadcast %add3A_168 : i32 to vector<16xi32>
    %add3A_170 = arith.addi %mul3A_25, %add3A_169 : vector<16xi32>
    tpu.vector_store_idx %arg7[%add3A_170], %gather3A_167 : memref<65536xf32, #tpu.memory_space<vmem>>[vector<16xi32>], vector<16xf32>,
    %add3A_171 = arith.constant 2048 : i32
    %add3A_172 = vector.broadcast %add3A_171 : i32 to vector<16xi32>
    %add3A_173 = arith.addi %get3A_163, %add3A_172 : vector<16xi32>
    %gather3A_174 = tpu.vector_load_idx %arg6[%add3A_173] : memref<6144xf32, #tpu.memory_space<vmem>>[vector<16xi32>], vector<16xf32>,
    %add3A_175 = arith.constant 12289 : i32
    %add3A_176 = vector.broadcast %add3A_175 : i32 to vector<16xi32>
    %add3A_177 = arith.addi %mul3A_25, %add3A_176 : vector<16xi32>
    tpu.vector_store_idx %arg7[%add3A_177], %gather3A_174 : memref<65536xf32, #tpu.memory_space<vmem>>[vector<16xi32>], vector<16xf32>,
    %add3A_178 = arith.constant 4096 : i32
    %add3A_179 = vector.broadcast %add3A_178 : i32 to vector<16xi32>
    %add3A_180 = arith.addi %get3A_163, %add3A_179 : vector<16xi32>
    %gather3A_181 = tpu.vector_load_idx %arg6[%add3A_180] : memref<6144xf32, #tpu.memory_space<vmem>>[vector<16xi32>], vector<16xf32>,
    %add3A_182 = arith.constant 12290 : i32
    %add3A_183 = vector.broadcast %add3A_182 : i32 to vector<16xi32>
    %add3A_184 = arith.addi %mul3A_25, %add3A_183 : vector<16xi32>
    tpu.vector_store_idx %arg7[%add3A_184], %gather3A_181 : memref<65536xf32, #tpu.memory_space<vmem>>[vector<16xi32>], vector<16xf32>,
    %get3A_185 = arith.constant 112 : index
    %get3A_186 = tpu.vector_load %arg5[%get3A_185] {strides = array<i32>} : memref<512xi32, #tpu.memory_space<vmem>>, vector<16xi32>,
    %add3A_187 = arith.constant 0 : i32
    %add3A_188 = vector.broadcast %add3A_187 : i32 to vector<16xi32>
    %add3A_189 = arith.addi %get3A_186, %add3A_188 : vector<16xi32>
    %gather3A_190 = tpu.vector_load_idx %arg6[%add3A_189] : memref<6144xf32, #tpu.memory_space<vmem>>[vector<16xi32>], vector<16xf32>,
    %add3A_191 = arith.constant 14336 : i32
    %add3A_192 = vector.broadcast %add3A_191 : i32 to vector<16xi32>
    %add3A_193 = arith.addi %mul3A_25, %add3A_192 : vector<16xi32>
    tpu.vector_store_idx %arg7[%add3A_193], %gather3A_190 : memref<65536xf32, #tpu.memory_space<vmem>>[vector<16xi32>], vector<16xf32>,
    %add3A_194 = arith.constant 2048 : i32
    %add3A_195 = vector.broadcast %add3A_194 : i32 to vector<16xi32>
    %add3A_196 = arith.addi %get3A_186, %add3A_195 : vector<16xi32>
    %gather3A_197 = tpu.vector_load_idx %arg6[%add3A_196] : memref<6144xf32, #tpu.memory_space<vmem>>[vector<16xi32>], vector<16xf32>,
    %add3A_198 = arith.constant 14337 : i32
    %add3A_199 = vector.broadcast %add3A_198 : i32 to vector<16xi32>
    %add3A_200 = arith.addi %mul3A_25, %add3A_199 : vector<16xi32>
    tpu.vector_store_idx %arg7[%add3A_200], %gather3A_197 : memref<65536xf32, #tpu.memory_space<vmem>>[vector<16xi32>], vector<16xf32>,
    %add3A_201 = arith.constant 4096 : i32
    %add3A_202 = vector.broadcast %add3A_201 : i32 to vector<16xi32>
    %add3A_203 = arith.addi %get3A_186, %add3A_202 : vector<16xi32>
    %gather3A_204 = tpu.vector_load_idx %arg6[%add3A_203] : memref<6144xf32, #tpu.memory_space<vmem>>[vector<16xi32>], vector<16xf32>,
    %add3A_205 = arith.constant 14338 : i32
    %add3A_206 = vector.broadcast %add3A_205 : i32 to vector<16xi32>
    %add3A_207 = arith.addi %mul3A_25, %add3A_206 : vector<16xi32>
    tpu.vector_store_idx %arg7[%add3A_207], %gather3A_204 : memref<65536xf32, #tpu.memory_space<vmem>>[vector<16xi32>], vector<16xf32>,
    %get3A_208 = arith.constant 128 : index
    %get3A_209 = tpu.vector_load %arg5[%get3A_208] {strides = array<i32>} : memref<512xi32, #tpu.memory_space<vmem>>, vector<16xi32>,
    %add3A_210 = arith.constant 0 : i32
    %add3A_211 = vector.broadcast %add3A_210 : i32 to vector<16xi32>
    %add3A_212 = arith.addi %get3A_209, %add3A_211 : vector<16xi32>
    %gather3A_213 = tpu.vector_load_idx %arg6[%add3A_212] : memref<6144xf32, #tpu.memory_space<vmem>>[vector<16xi32>], vector<16xf32>,
    %add3A_214 = arith.constant 16384 : i32
    %add3A_215 = vector.broadcast %add3A_214 : i32 to vector<16xi32>
    %add3A_216 = arith.addi %mul3A_25, %add3A_215 : vector<16xi32>
    tpu.vector_store_idx %arg7[%add3A_216], %gather3A_213 : memref<65536xf32, #tpu.memory_space<vmem>>[vector<16xi32>], vector<16xf32>,
    %add3A_217 = arith.constant 2048 : i32
    %add3A_218 = vector.broadcast %add3A_217 : i32 to vector<16xi32>
    %add3A_219 = arith.addi %get3A_209, %add3A_218 : vector<16xi32>
    %gather3A_220 = tpu.vector_load_idx %arg6[%add3A_219] : memref<6144xf32, #tpu.memory_space<vmem>>[vector<16xi32>], vector<16xf32>,
    %add3A_221 = arith.constant 16385 : i32
    %add3A_222 = vector.broadcast %add3A_221 : i32 to vector<16xi32>
    %add3A_223 = arith.addi %mul3A_25, %add3A_222 : vector<16xi32>
    tpu.vector_store_idx %arg7[%add3A_223], %gather3A_220 : memref<65536xf32, #tpu.memory_space<vmem>>[vector<16xi32>], vector<16xf32>,
    %add3A_224 = arith.constant 4096 : i32
    %add3A_225 = vector.broadcast %add3A_224 : i32 to vector<16xi32>
    %add3A_226 = arith.addi %get3A_209, %add3A_225 : vector<16xi32>
    %gather3A_227 = tpu.vector_load_idx %arg6[%add3A_226] : memref<6144xf32, #tpu.memory_space<vmem>>[vector<16xi32>], vector<16xf32>,
    %add3A_228 = arith.constant 16386 : i32
    %add3A_229 = vector.broadcast %add3A_228 : i32 to vector<16xi32>
    %add3A_230 = arith.addi %mul3A_25, %add3A_229 : vector<16xi32>
    tpu.vector_store_idx %arg7[%add3A_230], %gather3A_227 : memref<65536xf32, #tpu.memory_space<vmem>>[vector<16xi32>], vector<16xf32>,
    %get3A_231 = arith.constant 144 : index
    %get3A_232 = tpu.vector_load %arg5[%get3A_231] {strides = array<i32>} : memref<512xi32, #tpu.memory_space<vmem>>, vector<16xi32>,
    %add3A_233 = arith.constant 0 : i32
    %add3A_234 = vector.broadcast %add3A_233 : i32 to vector<16xi32>
    %add3A_235 = arith.addi %get3A_232, %add3A_234 : vector<16xi32>
    %gather3A_236 = tpu.vector_load_idx %arg6[%add3A_235] : memref<6144xf32, #tpu.memory_space<vmem>>[vector<16xi32>], vector<16xf32>,
    %add3A_237 = arith.constant 18432 : i32
    %add3A_238 = vector.broadcast %add3A_237 : i32 to vector<16xi32>
    %add3A_239 = arith.addi %mul3A_25, %add3A_238 : vector<16xi32>
    tpu.vector_store_idx %arg7[%add3A_239], %gather3A_236 : memref<65536xf32, #tpu.memory_space<vmem>>[vector<16xi32>], vector<16xf32>,
    %add3A_240 = arith.constant 2048 : i32
    %add3A_241 = vector.broadcast %add3A_240 : i32 to vector<16xi32>
    %add3A_242 = arith.addi %get3A_232, %add3A_241 : vector<16xi32>
    %gather3A_243 = tpu.vector_load_idx %arg6[%add3A_242] : memref<6144xf32, #tpu.memory_space<vmem>>[vector<16xi32>], vector<16xf32>,
    %add3A_244 = arith.constant 18433 : i32
    %add3A_245 = vector.broadcast %add3A_244 : i32 to vector<16xi32>
    %add3A_246 = arith.addi %mul3A_25, %add3A_245 : vector<16xi32>
    tpu.vector_store_idx %arg7[%add3A_246], %gather3A_243 : memref<65536xf32, #tpu.memory_space<vmem>>[vector<16xi32>], vector<16xf32>,
    %add3A_247 = arith.constant 4096 : i32
    %add3A_248 = vector.broadcast %add3A_247 : i32 to vector<16xi32>
    %add3A_249 = arith.addi %get3A_232, %add3A_248 : vector<16xi32>
    %gather3A_250 = tpu.vector_load_idx %arg6[%add3A_249] : memref<6144xf32, #tpu.memory_space<vmem>>[vector<16xi32>], vector<16xf32>,
    %add3A_251 = arith.constant 18434 : i32
    %add3A_252 = vector.broadcast %add3A_251 : i32 to vector<16xi32>
    %add3A_253 = arith.addi %mul3A_25, %add3A_252 : vector<16xi32>
    tpu.vector_store_idx %arg7[%add3A_253], %gather3A_250 : memref<65536xf32, #tpu.memory_space<vmem>>[vector<16xi32>], vector<16xf32>,
    %get3A_254 = arith.constant 160 : index
    %get3A_255 = tpu.vector_load %arg5[%get3A_254] {strides = array<i32>} : memref<512xi32, #tpu.memory_space<vmem>>, vector<16xi32>,
    %add3A_256 = arith.constant 0 : i32
    %add3A_257 = vector.broadcast %add3A_256 : i32 to vector<16xi32>
    %add3A_258 = arith.addi %get3A_255, %add3A_257 : vector<16xi32>
    %gather3A_259 = tpu.vector_load_idx %arg6[%add3A_258] : memref<6144xf32, #tpu.memory_space<vmem>>[vector<16xi32>], vector<16xf32>,
    %add3A_260 = arith.constant 20480 : i32
    %add3A_261 = vector.broadcast %add3A_260 : i32 to vector<16xi32>
    %add3A_262 = arith.addi %mul3A_25, %add3A_261 : vector<16xi32>
    tpu.vector_store_idx %arg7[%add3A_262], %gather3A_259 : memref<65536xf32, #tpu.memory_space<vmem>>[vector<16xi32>], vector<16xf32>,
    %add3A_263 = arith.constant 2048 : i32
    %add3A_264 = vector.broadcast %add3A_263 : i32 to vector<16xi32>
    %add3A_265 = arith.addi %get3A_255, %add3A_264 : vector<16xi32>
    %gather3A_266 = tpu.vector_load_idx %arg6[%add3A_265] : memref<6144xf32, #tpu.memory_space<vmem>>[vector<16xi32>], vector<16xf32>,
    %add3A_267 = arith.constant 20481 : i32
    %add3A_268 = vector.broadcast %add3A_267 : i32 to vector<16xi32>
    %add3A_269 = arith.addi %mul3A_25, %add3A_268 : vector<16xi32>
    tpu.vector_store_idx %arg7[%add3A_269], %gather3A_266 : memref<65536xf32, #tpu.memory_space<vmem>>[vector<16xi32>], vector<16xf32>,
    %add3A_270 = arith.constant 4096 : i32
    %add3A_271 = vector.broadcast %add3A_270 : i32 to vector<16xi32>
    %add3A_272 = arith.addi %get3A_255, %add3A_271 : vector<16xi32>
    %gather3A_273 = tpu.vector_load_idx %arg6[%add3A_272] : memref<6144xf32, #tpu.memory_space<vmem>>[vector<16xi32>], vector<16xf32>,
    %add3A_274 = arith.constant 20482 : i32
    %add3A_275 = vector.broadcast %add3A_274 : i32 to vector<16xi32>
    %add3A_276 = arith.addi %mul3A_25, %add3A_275 : vector<16xi32>
    tpu.vector_store_idx %arg7[%add3A_276], %gather3A_273 : memref<65536xf32, #tpu.memory_space<vmem>>[vector<16xi32>], vector<16xf32>,
    %get3A_277 = arith.constant 176 : index
    %get3A_278 = tpu.vector_load %arg5[%get3A_277] {strides = array<i32>} : memref<512xi32, #tpu.memory_space<vmem>>, vector<16xi32>,
    %add3A_279 = arith.constant 0 : i32
    %add3A_280 = vector.broadcast %add3A_279 : i32 to vector<16xi32>
    %add3A_281 = arith.addi %get3A_278, %add3A_280 : vector<16xi32>
    %gather3A_282 = tpu.vector_load_idx %arg6[%add3A_281] : memref<6144xf32, #tpu.memory_space<vmem>>[vector<16xi32>], vector<16xf32>,
    %add3A_283 = arith.constant 22528 : i32
    %add3A_284 = vector.broadcast %add3A_283 : i32 to vector<16xi32>
    %add3A_285 = arith.addi %mul3A_25, %add3A_284 : vector<16xi32>
    tpu.vector_store_idx %arg7[%add3A_285], %gather3A_282 : memref<65536xf32, #tpu.memory_space<vmem>>[vector<16xi32>], vector<16xf32>,
    %add3A_286 = arith.constant 2048 : i32
    %add3A_287 = vector.broadcast %add3A_286 : i32 to vector<16xi32>
    %add3A_288 = arith.addi %get3A_278, %add3A_287 : vector<16xi32>
    %gather3A_289 = tpu.vector_load_idx %arg6[%add3A_288] : memref<6144xf32, #tpu.memory_space<vmem>>[vector<16xi32>], vector<16xf32>,
    %add3A_290 = arith.constant 22529 : i32
    %add3A_291 = vector.broadcast %add3A_290 : i32 to vector<16xi32>
    %add3A_292 = arith.addi %mul3A_25, %add3A_291 : vector<16xi32>
    tpu.vector_store_idx %arg7[%add3A_292], %gather3A_289 : memref<65536xf32, #tpu.memory_space<vmem>>[vector<16xi32>], vector<16xf32>,
    %add3A_293 = arith.constant 4096 : i32
    %add3A_294 = vector.broadcast %add3A_293 : i32 to vector<16xi32>
    %add3A_295 = arith.addi %get3A_278, %add3A_294 : vector<16xi32>
    %gather3A_296 = tpu.vector_load_idx %arg6[%add3A_295] : memref<6144xf32, #tpu.memory_space<vmem>>[vector<16xi32>], vector<16xf32>,
    %add3A_297 = arith.constant 22530 : i32
    %add3A_298 = vector.broadcast %add3A_297 : i32 to vector<16xi32>
    %add3A_299 = arith.addi %mul3A_25, %add3A_298 : vector<16xi32>
    tpu.vector_store_idx %arg7[%add3A_299], %gather3A_296 : memref<65536xf32, #tpu.memory_space<vmem>>[vector<16xi32>], vector<16xf32>,
    %get3A_300 = arith.constant 192 : index
    %get3A_301 = tpu.vector_load %arg5[%get3A_300] {strides = array<i32>} : memref<512xi32, #tpu.memory_space<vmem>>, vector<16xi32>,
    %add3A_302 = arith.constant 0 : i32
    %add3A_303 = vector.broadcast %add3A_302 : i32 to vector<16xi32>
    %add3A_304 = arith.addi %get3A_301, %add3A_303 : vector<16xi32>
    %gather3A_305 = tpu.vector_load_idx %arg6[%add3A_304] : memref<6144xf32, #tpu.memory_space<vmem>>[vector<16xi32>], vector<16xf32>,
    %add3A_306 = arith.constant 24576 : i32
    %add3A_307 = vector.broadcast %add3A_306 : i32 to vector<16xi32>
    %add3A_308 = arith.addi %mul3A_25, %add3A_307 : vector<16xi32>
    tpu.vector_store_idx %arg7[%add3A_308], %gather3A_305 : memref<65536xf32, #tpu.memory_space<vmem>>[vector<16xi32>], vector<16xf32>,
    %add3A_309 = arith.constant 2048 : i32
    %add3A_310 = vector.broadcast %add3A_309 : i32 to vector<16xi32>
    %add3A_311 = arith.addi %get3A_301, %add3A_310 : vector<16xi32>
    %gather3A_312 = tpu.vector_load_idx %arg6[%add3A_311] : memref<6144xf32, #tpu.memory_space<vmem>>[vector<16xi32>], vector<16xf32>,
    %add3A_313 = arith.constant 24577 : i32
    %add3A_314 = vector.broadcast %add3A_313 : i32 to vector<16xi32>
    %add3A_315 = arith.addi %mul3A_25, %add3A_314 : vector<16xi32>
    tpu.vector_store_idx %arg7[%add3A_315], %gather3A_312 : memref<65536xf32, #tpu.memory_space<vmem>>[vector<16xi32>], vector<16xf32>,
    %add3A_316 = arith.constant 4096 : i32
    %add3A_317 = vector.broadcast %add3A_316 : i32 to vector<16xi32>
    %add3A_318 = arith.addi %get3A_301, %add3A_317 : vector<16xi32>
    %gather3A_319 = tpu.vector_load_idx %arg6[%add3A_318] : memref<6144xf32, #tpu.memory_space<vmem>>[vector<16xi32>], vector<16xf32>,
    %add3A_320 = arith.constant 24578 : i32
    %add3A_321 = vector.broadcast %add3A_320 : i32 to vector<16xi32>
    %add3A_322 = arith.addi %mul3A_25, %add3A_321 : vector<16xi32>
    tpu.vector_store_idx %arg7[%add3A_322], %gather3A_319 : memref<65536xf32, #tpu.memory_space<vmem>>[vector<16xi32>], vector<16xf32>,
    %get3A_323 = arith.constant 208 : index
    %get3A_324 = tpu.vector_load %arg5[%get3A_323] {strides = array<i32>} : memref<512xi32, #tpu.memory_space<vmem>>, vector<16xi32>,
    %add3A_325 = arith.constant 0 : i32
    %add3A_326 = vector.broadcast %add3A_325 : i32 to vector<16xi32>
    %add3A_327 = arith.addi %get3A_324, %add3A_326 : vector<16xi32>
    %gather3A_328 = tpu.vector_load_idx %arg6[%add3A_327] : memref<6144xf32, #tpu.memory_space<vmem>>[vector<16xi32>], vector<16xf32>,
    %add3A_329 = arith.constant 26624 : i32
    %add3A_330 = vector.broadcast %add3A_329 : i32 to vector<16xi32>
    %add3A_331 = arith.addi %mul3A_25, %add3A_330 : vector<16xi32>
    tpu.vector_store_idx %arg7[%add3A_331], %gather3A_328 : memref<65536xf32, #tpu.memory_space<vmem>>[vector<16xi32>], vector<16xf32>,
    %add3A_332 = arith.constant 2048 : i32
    %add3A_333 = vector.broadcast %add3A_332 : i32 to vector<16xi32>
    %add3A_334 = arith.addi %get3A_324, %add3A_333 : vector<16xi32>
    %gather3A_335 = tpu.vector_load_idx %arg6[%add3A_334] : memref<6144xf32, #tpu.memory_space<vmem>>[vector<16xi32>], vector<16xf32>,
    %add3A_336 = arith.constant 26625 : i32
    %add3A_337 = vector.broadcast %add3A_336 : i32 to vector<16xi32>
    %add3A_338 = arith.addi %mul3A_25, %add3A_337 : vector<16xi32>
    tpu.vector_store_idx %arg7[%add3A_338], %gather3A_335 : memref<65536xf32, #tpu.memory_space<vmem>>[vector<16xi32>], vector<16xf32>,
    %add3A_339 = arith.constant 4096 : i32
    %add3A_340 = vector.broadcast %add3A_339 : i32 to vector<16xi32>
    %add3A_341 = arith.addi %get3A_324, %add3A_340 : vector<16xi32>
    %gather3A_342 = tpu.vector_load_idx %arg6[%add3A_341] : memref<6144xf32, #tpu.memory_space<vmem>>[vector<16xi32>], vector<16xf32>,
    %add3A_343 = arith.constant 26626 : i32
    %add3A_344 = vector.broadcast %add3A_343 : i32 to vector<16xi32>
    %add3A_345 = arith.addi %mul3A_25, %add3A_344 : vector<16xi32>
    tpu.vector_store_idx %arg7[%add3A_345], %gather3A_342 : memref<65536xf32, #tpu.memory_space<vmem>>[vector<16xi32>], vector<16xf32>,
    %get3A_346 = arith.constant 224 : index
    %get3A_347 = tpu.vector_load %arg5[%get3A_346] {strides = array<i32>} : memref<512xi32, #tpu.memory_space<vmem>>, vector<16xi32>,
    %add3A_348 = arith.constant 0 : i32
    %add3A_349 = vector.broadcast %add3A_348 : i32 to vector<16xi32>
    %add3A_350 = arith.addi %get3A_347, %add3A_349 : vector<16xi32>
    %gather3A_351 = tpu.vector_load_idx %arg6[%add3A_350] : memref<6144xf32, #tpu.memory_space<vmem>>[vector<16xi32>], vector<16xf32>,
    %add3A_352 = arith.constant 28672 : i32
    %add3A_353 = vector.broadcast %add3A_352 : i32 to vector<16xi32>
    %add3A_354 = arith.addi %mul3A_25, %add3A_353 : vector<16xi32>
    tpu.vector_store_idx %arg7[%add3A_354], %gather3A_351 : memref<65536xf32, #tpu.memory_space<vmem>>[vector<16xi32>], vector<16xf32>,
    %add3A_355 = arith.constant 2048 : i32
    %add3A_356 = vector.broadcast %add3A_355 : i32 to vector<16xi32>
    %add3A_357 = arith.addi %get3A_347, %add3A_356 : vector<16xi32>
    %gather3A_358 = tpu.vector_load_idx %arg6[%add3A_357] : memref<6144xf32, #tpu.memory_space<vmem>>[vector<16xi32>], vector<16xf32>,
    %add3A_359 = arith.constant 28673 : i32
    %add3A_360 = vector.broadcast %add3A_359 : i32 to vector<16xi32>
    %add3A_361 = arith.addi %mul3A_25, %add3A_360 : vector<16xi32>
    tpu.vector_store_idx %arg7[%add3A_361], %gather3A_358 : memref<65536xf32, #tpu.memory_space<vmem>>[vector<16xi32>], vector<16xf32>,
    %add3A_362 = arith.constant 4096 : i32
    %add3A_363 = vector.broadcast %add3A_362 : i32 to vector<16xi32>
    %add3A_364 = arith.addi %get3A_347, %add3A_363 : vector<16xi32>
    %gather3A_365 = tpu.vector_load_idx %arg6[%add3A_364] : memref<6144xf32, #tpu.memory_space<vmem>>[vector<16xi32>], vector<16xf32>,
    %add3A_366 = arith.constant 28674 : i32
    %add3A_367 = vector.broadcast %add3A_366 : i32 to vector<16xi32>
    %add3A_368 = arith.addi %mul3A_25, %add3A_367 : vector<16xi32>
    tpu.vector_store_idx %arg7[%add3A_368], %gather3A_365 : memref<65536xf32, #tpu.memory_space<vmem>>[vector<16xi32>], vector<16xf32>,
    %get3A_369 = arith.constant 240 : index
    %get3A_370 = tpu.vector_load %arg5[%get3A_369] {strides = array<i32>} : memref<512xi32, #tpu.memory_space<vmem>>, vector<16xi32>,
    %add3A_371 = arith.constant 0 : i32
    %add3A_372 = vector.broadcast %add3A_371 : i32 to vector<16xi32>
    %add3A_373 = arith.addi %get3A_370, %add3A_372 : vector<16xi32>
    %gather3A_374 = tpu.vector_load_idx %arg6[%add3A_373] : memref<6144xf32, #tpu.memory_space<vmem>>[vector<16xi32>], vector<16xf32>,
    %add3A_375 = arith.constant 30720 : i32
    %add3A_376 = vector.broadcast %add3A_375 : i32 to vector<16xi32>
    %add3A_377 = arith.addi %mul3A_25, %add3A_376 : vector<16xi32>
    tpu.vector_store_idx %arg7[%add3A_377], %gather3A_374 : memref<65536xf32, #tpu.memory_space<vmem>>[vector<16xi32>], vector<16xf32>,
    %add3A_378 = arith.constant 2048 : i32
    %add3A_379 = vector.broadcast %add3A_378 : i32 to vector<16xi32>
    %add3A_380 = arith.addi %get3A_370, %add3A_379 : vector<16xi32>
    %gather3A_381 = tpu.vector_load_idx %arg6[%add3A_380] : memref<6144xf32, #tpu.memory_space<vmem>>[vector<16xi32>], vector<16xf32>,
    %add3A_382 = arith.constant 30721 : i32
    %add3A_383 = vector.broadcast %add3A_382 : i32 to vector<16xi32>
    %add3A_384 = arith.addi %mul3A_25, %add3A_383 : vector<16xi32>
    tpu.vector_store_idx %arg7[%add3A_384], %gather3A_381 : memref<65536xf32, #tpu.memory_space<vmem>>[vector<16xi32>], vector<16xf32>,
    %add3A_385 = arith.constant 4096 : i32
    %add3A_386 = vector.broadcast %add3A_385 : i32 to vector<16xi32>
    %add3A_387 = arith.addi %get3A_370, %add3A_386 : vector<16xi32>
    %gather3A_388 = tpu.vector_load_idx %arg6[%add3A_387] : memref<6144xf32, #tpu.memory_space<vmem>>[vector<16xi32>], vector<16xf32>,
    %add3A_389 = arith.constant 30722 : i32
    %add3A_390 = vector.broadcast %add3A_389 : i32 to vector<16xi32>
    %add3A_391 = arith.addi %mul3A_25, %add3A_390 : vector<16xi32>
    tpu.vector_store_idx %arg7[%add3A_391], %gather3A_388 : memref<65536xf32, #tpu.memory_space<vmem>>[vector<16xi32>], vector<16xf32>,
    %get3A_392 = arith.constant 256 : index
    %get3A_393 = tpu.vector_load %arg5[%get3A_392] {strides = array<i32>} : memref<512xi32, #tpu.memory_space<vmem>>, vector<16xi32>,
    %add3A_394 = arith.constant 0 : i32
    %add3A_395 = vector.broadcast %add3A_394 : i32 to vector<16xi32>
    %add3A_396 = arith.addi %get3A_393, %add3A_395 : vector<16xi32>
    %gather3A_397 = tpu.vector_load_idx %arg6[%add3A_396] : memref<6144xf32, #tpu.memory_space<vmem>>[vector<16xi32>], vector<16xf32>,
    %add3A_398 = arith.constant 32768 : i32
    %add3A_399 = vector.broadcast %add3A_398 : i32 to vector<16xi32>
    %add3A_400 = arith.addi %mul3A_25, %add3A_399 : vector<16xi32>
    tpu.vector_store_idx %arg7[%add3A_400], %gather3A_397 : memref<65536xf32, #tpu.memory_space<vmem>>[vector<16xi32>], vector<16xf32>,
    %add3A_401 = arith.constant 2048 : i32
    %add3A_402 = vector.broadcast %add3A_401 : i32 to vector<16xi32>
    %add3A_403 = arith.addi %get3A_393, %add3A_402 : vector<16xi32>
    %gather3A_404 = tpu.vector_load_idx %arg6[%add3A_403] : memref<6144xf32, #tpu.memory_space<vmem>>[vector<16xi32>], vector<16xf32>,
    %add3A_405 = arith.constant 32769 : i32
    %add3A_406 = vector.broadcast %add3A_405 : i32 to vector<16xi32>
    %add3A_407 = arith.addi %mul3A_25, %add3A_406 : vector<16xi32>
    tpu.vector_store_idx %arg7[%add3A_407], %gather3A_404 : memref<65536xf32, #tpu.memory_space<vmem>>[vector<16xi32>], vector<16xf32>,
    %add3A_408 = arith.constant 4096 : i32
    %add3A_409 = vector.broadcast %add3A_408 : i32 to vector<16xi32>
    %add3A_410 = arith.addi %get3A_393, %add3A_409 : vector<16xi32>
    %gather3A_411 = tpu.vector_load_idx %arg6[%add3A_410] : memref<6144xf32, #tpu.memory_space<vmem>>[vector<16xi32>], vector<16xf32>,
    %add3A_412 = arith.constant 32770 : i32
    %add3A_413 = vector.broadcast %add3A_412 : i32 to vector<16xi32>
    %add3A_414 = arith.addi %mul3A_25, %add3A_413 : vector<16xi32>
    tpu.vector_store_idx %arg7[%add3A_414], %gather3A_411 : memref<65536xf32, #tpu.memory_space<vmem>>[vector<16xi32>], vector<16xf32>,
    %get3A_415 = arith.constant 272 : index
    %get3A_416 = tpu.vector_load %arg5[%get3A_415] {strides = array<i32>} : memref<512xi32, #tpu.memory_space<vmem>>, vector<16xi32>,
    %add3A_417 = arith.constant 0 : i32
    %add3A_418 = vector.broadcast %add3A_417 : i32 to vector<16xi32>
    %add3A_419 = arith.addi %get3A_416, %add3A_418 : vector<16xi32>
    %gather3A_420 = tpu.vector_load_idx %arg6[%add3A_419] : memref<6144xf32, #tpu.memory_space<vmem>>[vector<16xi32>], vector<16xf32>,
    %add3A_421 = arith.constant 34816 : i32
    %add3A_422 = vector.broadcast %add3A_421 : i32 to vector<16xi32>
    %add3A_423 = arith.addi %mul3A_25, %add3A_422 : vector<16xi32>
    tpu.vector_store_idx %arg7[%add3A_423], %gather3A_420 : memref<65536xf32, #tpu.memory_space<vmem>>[vector<16xi32>], vector<16xf32>,
    %add3A_424 = arith.constant 2048 : i32
    %add3A_425 = vector.broadcast %add3A_424 : i32 to vector<16xi32>
    %add3A_426 = arith.addi %get3A_416, %add3A_425 : vector<16xi32>
    %gather3A_427 = tpu.vector_load_idx %arg6[%add3A_426] : memref<6144xf32, #tpu.memory_space<vmem>>[vector<16xi32>], vector<16xf32>,
    %add3A_428 = arith.constant 34817 : i32
    %add3A_429 = vector.broadcast %add3A_428 : i32 to vector<16xi32>
    %add3A_430 = arith.addi %mul3A_25, %add3A_429 : vector<16xi32>
    tpu.vector_store_idx %arg7[%add3A_430], %gather3A_427 : memref<65536xf32, #tpu.memory_space<vmem>>[vector<16xi32>], vector<16xf32>,
    %add3A_431 = arith.constant 4096 : i32
    %add3A_432 = vector.broadcast %add3A_431 : i32 to vector<16xi32>
    %add3A_433 = arith.addi %get3A_416, %add3A_432 : vector<16xi32>
    %gather3A_434 = tpu.vector_load_idx %arg6[%add3A_433] : memref<6144xf32, #tpu.memory_space<vmem>>[vector<16xi32>], vector<16xf32>,
    %add3A_435 = arith.constant 34818 : i32
    %add3A_436 = vector.broadcast %add3A_435 : i32 to vector<16xi32>
    %add3A_437 = arith.addi %mul3A_25, %add3A_436 : vector<16xi32>
    tpu.vector_store_idx %arg7[%add3A_437], %gather3A_434 : memref<65536xf32, #tpu.memory_space<vmem>>[vector<16xi32>], vector<16xf32>,
    %get3A_438 = arith.constant 288 : index
    %get3A_439 = tpu.vector_load %arg5[%get3A_438] {strides = array<i32>} : memref<512xi32, #tpu.memory_space<vmem>>, vector<16xi32>,
    %add3A_440 = arith.constant 0 : i32
    %add3A_441 = vector.broadcast %add3A_440 : i32 to vector<16xi32>
    %add3A_442 = arith.addi %get3A_439, %add3A_441 : vector<16xi32>
    %gather3A_443 = tpu.vector_load_idx %arg6[%add3A_442] : memref<6144xf32, #tpu.memory_space<vmem>>[vector<16xi32>], vector<16xf32>,
    %add3A_444 = arith.constant 36864 : i32
    %add3A_445 = vector.broadcast %add3A_444 : i32 to vector<16xi32>
    %add3A_446 = arith.addi %mul3A_25, %add3A_445 : vector<16xi32>
    tpu.vector_store_idx %arg7[%add3A_446], %gather3A_443 : memref<65536xf32, #tpu.memory_space<vmem>>[vector<16xi32>], vector<16xf32>,
    %add3A_447 = arith.constant 2048 : i32
    %add3A_448 = vector.broadcast %add3A_447 : i32 to vector<16xi32>
    %add3A_449 = arith.addi %get3A_439, %add3A_448 : vector<16xi32>
    %gather3A_450 = tpu.vector_load_idx %arg6[%add3A_449] : memref<6144xf32, #tpu.memory_space<vmem>>[vector<16xi32>], vector<16xf32>,
    %add3A_451 = arith.constant 36865 : i32
    %add3A_452 = vector.broadcast %add3A_451 : i32 to vector<16xi32>
    %add3A_453 = arith.addi %mul3A_25, %add3A_452 : vector<16xi32>
    tpu.vector_store_idx %arg7[%add3A_453], %gather3A_450 : memref<65536xf32, #tpu.memory_space<vmem>>[vector<16xi32>], vector<16xf32>,
    %add3A_454 = arith.constant 4096 : i32
    %add3A_455 = vector.broadcast %add3A_454 : i32 to vector<16xi32>
    %add3A_456 = arith.addi %get3A_439, %add3A_455 : vector<16xi32>
    %gather3A_457 = tpu.vector_load_idx %arg6[%add3A_456] : memref<6144xf32, #tpu.memory_space<vmem>>[vector<16xi32>], vector<16xf32>,
    %add3A_458 = arith.constant 36866 : i32
    %add3A_459 = vector.broadcast %add3A_458 : i32 to vector<16xi32>
    %add3A_460 = arith.addi %mul3A_25, %add3A_459 : vector<16xi32>
    tpu.vector_store_idx %arg7[%add3A_460], %gather3A_457 : memref<65536xf32, #tpu.memory_space<vmem>>[vector<16xi32>], vector<16xf32>,
    %get3A_461 = arith.constant 304 : index
    %get3A_462 = tpu.vector_load %arg5[%get3A_461] {strides = array<i32>} : memref<512xi32, #tpu.memory_space<vmem>>, vector<16xi32>,
    %add3A_463 = arith.constant 0 : i32
    %add3A_464 = vector.broadcast %add3A_463 : i32 to vector<16xi32>
    %add3A_465 = arith.addi %get3A_462, %add3A_464 : vector<16xi32>
    %gather3A_466 = tpu.vector_load_idx %arg6[%add3A_465] : memref<6144xf32, #tpu.memory_space<vmem>>[vector<16xi32>], vector<16xf32>,
    %add3A_467 = arith.constant 38912 : i32
    %add3A_468 = vector.broadcast %add3A_467 : i32 to vector<16xi32>
    %add3A_469 = arith.addi %mul3A_25, %add3A_468 : vector<16xi32>
    tpu.vector_store_idx %arg7[%add3A_469], %gather3A_466 : memref<65536xf32, #tpu.memory_space<vmem>>[vector<16xi32>], vector<16xf32>,
    %add3A_470 = arith.constant 2048 : i32
    %add3A_471 = vector.broadcast %add3A_470 : i32 to vector<16xi32>
    %add3A_472 = arith.addi %get3A_462, %add3A_471 : vector<16xi32>
    %gather3A_473 = tpu.vector_load_idx %arg6[%add3A_472] : memref<6144xf32, #tpu.memory_space<vmem>>[vector<16xi32>], vector<16xf32>,
    %add3A_474 = arith.constant 38913 : i32
    %add3A_475 = vector.broadcast %add3A_474 : i32 to vector<16xi32>
    %add3A_476 = arith.addi %mul3A_25, %add3A_475 : vector<16xi32>
    tpu.vector_store_idx %arg7[%add3A_476], %gather3A_473 : memref<65536xf32, #tpu.memory_space<vmem>>[vector<16xi32>], vector<16xf32>,
    %add3A_477 = arith.constant 4096 : i32
    %add3A_478 = vector.broadcast %add3A_477 : i32 to vector<16xi32>
    %add3A_479 = arith.addi %get3A_462, %add3A_478 : vector<16xi32>
    %gather3A_480 = tpu.vector_load_idx %arg6[%add3A_479] : memref<6144xf32, #tpu.memory_space<vmem>>[vector<16xi32>], vector<16xf32>,
    %add3A_481 = arith.constant 38914 : i32
    %add3A_482 = vector.broadcast %add3A_481 : i32 to vector<16xi32>
    %add3A_483 = arith.addi %mul3A_25, %add3A_482 : vector<16xi32>
    tpu.vector_store_idx %arg7[%add3A_483], %gather3A_480 : memref<65536xf32, #tpu.memory_space<vmem>>[vector<16xi32>], vector<16xf32>,
    %get3A_484 = arith.constant 320 : index
    %get3A_485 = tpu.vector_load %arg5[%get3A_484] {strides = array<i32>} : memref<512xi32, #tpu.memory_space<vmem>>, vector<16xi32>,
    %add3A_486 = arith.constant 0 : i32
    %add3A_487 = vector.broadcast %add3A_486 : i32 to vector<16xi32>
    %add3A_488 = arith.addi %get3A_485, %add3A_487 : vector<16xi32>
    %gather3A_489 = tpu.vector_load_idx %arg6[%add3A_488] : memref<6144xf32, #tpu.memory_space<vmem>>[vector<16xi32>], vector<16xf32>,
    %add3A_490 = arith.constant 40960 : i32
    %add3A_491 = vector.broadcast %add3A_490 : i32 to vector<16xi32>
    %add3A_492 = arith.addi %mul3A_25, %add3A_491 : vector<16xi32>
    tpu.vector_store_idx %arg7[%add3A_492], %gather3A_489 : memref<65536xf32, #tpu.memory_space<vmem>>[vector<16xi32>], vector<16xf32>,
    %add3A_493 = arith.constant 2048 : i32
    %add3A_494 = vector.broadcast %add3A_493 : i32 to vector<16xi32>
    %add3A_495 = arith.addi %get3A_485, %add3A_494 : vector<16xi32>
    %gather3A_496 = tpu.vector_load_idx %arg6[%add3A_495] : memref<6144xf32, #tpu.memory_space<vmem>>[vector<16xi32>], vector<16xf32>,
    %add3A_497 = arith.constant 40961 : i32
    %add3A_498 = vector.broadcast %add3A_497 : i32 to vector<16xi32>
    %add3A_499 = arith.addi %mul3A_25, %add3A_498 : vector<16xi32>
    tpu.vector_store_idx %arg7[%add3A_499], %gather3A_496 : memref<65536xf32, #tpu.memory_space<vmem>>[vector<16xi32>], vector<16xf32>,
    %add3A_500 = arith.constant 4096 : i32
    %add3A_501 = vector.broadcast %add3A_500 : i32 to vector<16xi32>
    %add3A_502 = arith.addi %get3A_485, %add3A_501 : vector<16xi32>
    %gather3A_503 = tpu.vector_load_idx %arg6[%add3A_502] : memref<6144xf32, #tpu.memory_space<vmem>>[vector<16xi32>], vector<16xf32>,
    %add3A_504 = arith.constant 40962 : i32
    %add3A_505 = vector.broadcast %add3A_504 : i32 to vector<16xi32>
    %add3A_506 = arith.addi %mul3A_25, %add3A_505 : vector<16xi32>
    tpu.vector_store_idx %arg7[%add3A_506], %gather3A_503 : memref<65536xf32, #tpu.memory_space<vmem>>[vector<16xi32>], vector<16xf32>,
    %get3A_507 = arith.constant 336 : index
    %get3A_508 = tpu.vector_load %arg5[%get3A_507] {strides = array<i32>} : memref<512xi32, #tpu.memory_space<vmem>>, vector<16xi32>,
    %add3A_509 = arith.constant 0 : i32
    %add3A_510 = vector.broadcast %add3A_509 : i32 to vector<16xi32>
    %add3A_511 = arith.addi %get3A_508, %add3A_510 : vector<16xi32>
    %gather3A_512 = tpu.vector_load_idx %arg6[%add3A_511] : memref<6144xf32, #tpu.memory_space<vmem>>[vector<16xi32>], vector<16xf32>,
    %add3A_513 = arith.constant 43008 : i32
    %add3A_514 = vector.broadcast %add3A_513 : i32 to vector<16xi32>
    %add3A_515 = arith.addi %mul3A_25, %add3A_514 : vector<16xi32>
    tpu.vector_store_idx %arg7[%add3A_515], %gather3A_512 : memref<65536xf32, #tpu.memory_space<vmem>>[vector<16xi32>], vector<16xf32>,
    %add3A_516 = arith.constant 2048 : i32
    %add3A_517 = vector.broadcast %add3A_516 : i32 to vector<16xi32>
    %add3A_518 = arith.addi %get3A_508, %add3A_517 : vector<16xi32>
    %gather3A_519 = tpu.vector_load_idx %arg6[%add3A_518] : memref<6144xf32, #tpu.memory_space<vmem>>[vector<16xi32>], vector<16xf32>,
    %add3A_520 = arith.constant 43009 : i32
    %add3A_521 = vector.broadcast %add3A_520 : i32 to vector<16xi32>
    %add3A_522 = arith.addi %mul3A_25, %add3A_521 : vector<16xi32>
    tpu.vector_store_idx %arg7[%add3A_522], %gather3A_519 : memref<65536xf32, #tpu.memory_space<vmem>>[vector<16xi32>], vector<16xf32>,
    %add3A_523 = arith.constant 4096 : i32
    %add3A_524 = vector.broadcast %add3A_523 : i32 to vector<16xi32>
    %add3A_525 = arith.addi %get3A_508, %add3A_524 : vector<16xi32>
    %gather3A_526 = tpu.vector_load_idx %arg6[%add3A_525] : memref<6144xf32, #tpu.memory_space<vmem>>[vector<16xi32>], vector<16xf32>,
    %add3A_527 = arith.constant 43010 : i32
    %add3A_528 = vector.broadcast %add3A_527 : i32 to vector<16xi32>
    %add3A_529 = arith.addi %mul3A_25, %add3A_528 : vector<16xi32>
    tpu.vector_store_idx %arg7[%add3A_529], %gather3A_526 : memref<65536xf32, #tpu.memory_space<vmem>>[vector<16xi32>], vector<16xf32>,
    %get3A_530 = arith.constant 352 : index
    %get3A_531 = tpu.vector_load %arg5[%get3A_530] {strides = array<i32>} : memref<512xi32, #tpu.memory_space<vmem>>, vector<16xi32>,
    %add3A_532 = arith.constant 0 : i32
    %add3A_533 = vector.broadcast %add3A_532 : i32 to vector<16xi32>
    %add3A_534 = arith.addi %get3A_531, %add3A_533 : vector<16xi32>
    %gather3A_535 = tpu.vector_load_idx %arg6[%add3A_534] : memref<6144xf32, #tpu.memory_space<vmem>>[vector<16xi32>], vector<16xf32>,
    %add3A_536 = arith.constant 45056 : i32
    %add3A_537 = vector.broadcast %add3A_536 : i32 to vector<16xi32>
    %add3A_538 = arith.addi %mul3A_25, %add3A_537 : vector<16xi32>
    tpu.vector_store_idx %arg7[%add3A_538], %gather3A_535 : memref<65536xf32, #tpu.memory_space<vmem>>[vector<16xi32>], vector<16xf32>,
    %add3A_539 = arith.constant 2048 : i32
    %add3A_540 = vector.broadcast %add3A_539 : i32 to vector<16xi32>
    %add3A_541 = arith.addi %get3A_531, %add3A_540 : vector<16xi32>
    %gather3A_542 = tpu.vector_load_idx %arg6[%add3A_541] : memref<6144xf32, #tpu.memory_space<vmem>>[vector<16xi32>], vector<16xf32>,
    %add3A_543 = arith.constant 45057 : i32
    %add3A_544 = vector.broadcast %add3A_543 : i32 to vector<16xi32>
    %add3A_545 = arith.addi %mul3A_25, %add3A_544 : vector<16xi32>
    tpu.vector_store_idx %arg7[%add3A_545], %gather3A_542 : memref<65536xf32, #tpu.memory_space<vmem>>[vector<16xi32>], vector<16xf32>,
    %add3A_546 = arith.constant 4096 : i32
    %add3A_547 = vector.broadcast %add3A_546 : i32 to vector<16xi32>
    %add3A_548 = arith.addi %get3A_531, %add3A_547 : vector<16xi32>
    %gather3A_549 = tpu.vector_load_idx %arg6[%add3A_548] : memref<6144xf32, #tpu.memory_space<vmem>>[vector<16xi32>], vector<16xf32>,
    %add3A_550 = arith.constant 45058 : i32
    %add3A_551 = vector.broadcast %add3A_550 : i32 to vector<16xi32>
    %add3A_552 = arith.addi %mul3A_25, %add3A_551 : vector<16xi32>
    tpu.vector_store_idx %arg7[%add3A_552], %gather3A_549 : memref<65536xf32, #tpu.memory_space<vmem>>[vector<16xi32>], vector<16xf32>,
    %get3A_553 = arith.constant 368 : index
    %get3A_554 = tpu.vector_load %arg5[%get3A_553] {strides = array<i32>} : memref<512xi32, #tpu.memory_space<vmem>>, vector<16xi32>,
    %add3A_555 = arith.constant 0 : i32
    %add3A_556 = vector.broadcast %add3A_555 : i32 to vector<16xi32>
    %add3A_557 = arith.addi %get3A_554, %add3A_556 : vector<16xi32>
    %gather3A_558 = tpu.vector_load_idx %arg6[%add3A_557] : memref<6144xf32, #tpu.memory_space<vmem>>[vector<16xi32>], vector<16xf32>,
    %add3A_559 = arith.constant 47104 : i32
    %add3A_560 = vector.broadcast %add3A_559 : i32 to vector<16xi32>
    %add3A_561 = arith.addi %mul3A_25, %add3A_560 : vector<16xi32>
    tpu.vector_store_idx %arg7[%add3A_561], %gather3A_558 : memref<65536xf32, #tpu.memory_space<vmem>>[vector<16xi32>], vector<16xf32>,
    %add3A_562 = arith.constant 2048 : i32
    %add3A_563 = vector.broadcast %add3A_562 : i32 to vector<16xi32>
    %add3A_564 = arith.addi %get3A_554, %add3A_563 : vector<16xi32>
    %gather3A_565 = tpu.vector_load_idx %arg6[%add3A_564] : memref<6144xf32, #tpu.memory_space<vmem>>[vector<16xi32>], vector<16xf32>,
    %add3A_566 = arith.constant 47105 : i32
    %add3A_567 = vector.broadcast %add3A_566 : i32 to vector<16xi32>
    %add3A_568 = arith.addi %mul3A_25, %add3A_567 : vector<16xi32>
    tpu.vector_store_idx %arg7[%add3A_568], %gather3A_565 : memref<65536xf32, #tpu.memory_space<vmem>>[vector<16xi32>], vector<16xf32>,
    %add3A_569 = arith.constant 4096 : i32
    %add3A_570 = vector.broadcast %add3A_569 : i32 to vector<16xi32>
    %add3A_571 = arith.addi %get3A_554, %add3A_570 : vector<16xi32>
    %gather3A_572 = tpu.vector_load_idx %arg6[%add3A_571] : memref<6144xf32, #tpu.memory_space<vmem>>[vector<16xi32>], vector<16xf32>,
    %add3A_573 = arith.constant 47106 : i32
    %add3A_574 = vector.broadcast %add3A_573 : i32 to vector<16xi32>
    %add3A_575 = arith.addi %mul3A_25, %add3A_574 : vector<16xi32>
    tpu.vector_store_idx %arg7[%add3A_575], %gather3A_572 : memref<65536xf32, #tpu.memory_space<vmem>>[vector<16xi32>], vector<16xf32>,
    %get3A_576 = arith.constant 384 : index
    %get3A_577 = tpu.vector_load %arg5[%get3A_576] {strides = array<i32>} : memref<512xi32, #tpu.memory_space<vmem>>, vector<16xi32>,
    %add3A_578 = arith.constant 0 : i32
    %add3A_579 = vector.broadcast %add3A_578 : i32 to vector<16xi32>
    %add3A_580 = arith.addi %get3A_577, %add3A_579 : vector<16xi32>
    %gather3A_581 = tpu.vector_load_idx %arg6[%add3A_580] : memref<6144xf32, #tpu.memory_space<vmem>>[vector<16xi32>], vector<16xf32>,
    %add3A_582 = arith.constant 49152 : i32
    %add3A_583 = vector.broadcast %add3A_582 : i32 to vector<16xi32>
    %add3A_584 = arith.addi %mul3A_25, %add3A_583 : vector<16xi32>
    tpu.vector_store_idx %arg7[%add3A_584], %gather3A_581 : memref<65536xf32, #tpu.memory_space<vmem>>[vector<16xi32>], vector<16xf32>,
    %add3A_585 = arith.constant 2048 : i32
    %add3A_586 = vector.broadcast %add3A_585 : i32 to vector<16xi32>
    %add3A_587 = arith.addi %get3A_577, %add3A_586 : vector<16xi32>
    %gather3A_588 = tpu.vector_load_idx %arg6[%add3A_587] : memref<6144xf32, #tpu.memory_space<vmem>>[vector<16xi32>], vector<16xf32>,
    %add3A_589 = arith.constant 49153 : i32
    %add3A_590 = vector.broadcast %add3A_589 : i32 to vector<16xi32>
    %add3A_591 = arith.addi %mul3A_25, %add3A_590 : vector<16xi32>
    tpu.vector_store_idx %arg7[%add3A_591], %gather3A_588 : memref<65536xf32, #tpu.memory_space<vmem>>[vector<16xi32>], vector<16xf32>,
    %add3A_592 = arith.constant 4096 : i32
    %add3A_593 = vector.broadcast %add3A_592 : i32 to vector<16xi32>
    %add3A_594 = arith.addi %get3A_577, %add3A_593 : vector<16xi32>
    %gather3A_595 = tpu.vector_load_idx %arg6[%add3A_594] : memref<6144xf32, #tpu.memory_space<vmem>>[vector<16xi32>], vector<16xf32>,
    %add3A_596 = arith.constant 49154 : i32
    %add3A_597 = vector.broadcast %add3A_596 : i32 to vector<16xi32>
    %add3A_598 = arith.addi %mul3A_25, %add3A_597 : vector<16xi32>
    tpu.vector_store_idx %arg7[%add3A_598], %gather3A_595 : memref<65536xf32, #tpu.memory_space<vmem>>[vector<16xi32>], vector<16xf32>,
    %get3A_599 = arith.constant 400 : index
    %get3A_600 = tpu.vector_load %arg5[%get3A_599] {strides = array<i32>} : memref<512xi32, #tpu.memory_space<vmem>>, vector<16xi32>,
    %add3A_601 = arith.constant 0 : i32
    %add3A_602 = vector.broadcast %add3A_601 : i32 to vector<16xi32>
    %add3A_603 = arith.addi %get3A_600, %add3A_602 : vector<16xi32>
    %gather3A_604 = tpu.vector_load_idx %arg6[%add3A_603] : memref<6144xf32, #tpu.memory_space<vmem>>[vector<16xi32>], vector<16xf32>,
    %add3A_605 = arith.constant 51200 : i32
    %add3A_606 = vector.broadcast %add3A_605 : i32 to vector<16xi32>
    %add3A_607 = arith.addi %mul3A_25, %add3A_606 : vector<16xi32>
    tpu.vector_store_idx %arg7[%add3A_607], %gather3A_604 : memref<65536xf32, #tpu.memory_space<vmem>>[vector<16xi32>], vector<16xf32>,
    %add3A_608 = arith.constant 2048 : i32
    %add3A_609 = vector.broadcast %add3A_608 : i32 to vector<16xi32>
    %add3A_610 = arith.addi %get3A_600, %add3A_609 : vector<16xi32>
    %gather3A_611 = tpu.vector_load_idx %arg6[%add3A_610] : memref<6144xf32, #tpu.memory_space<vmem>>[vector<16xi32>], vector<16xf32>,
    %add3A_612 = arith.constant 51201 : i32
    %add3A_613 = vector.broadcast %add3A_612 : i32 to vector<16xi32>
    %add3A_614 = arith.addi %mul3A_25, %add3A_613 : vector<16xi32>
    tpu.vector_store_idx %arg7[%add3A_614], %gather3A_611 : memref<65536xf32, #tpu.memory_space<vmem>>[vector<16xi32>], vector<16xf32>,
    %add3A_615 = arith.constant 4096 : i32
    %add3A_616 = vector.broadcast %add3A_615 : i32 to vector<16xi32>
    %add3A_617 = arith.addi %get3A_600, %add3A_616 : vector<16xi32>
    %gather3A_618 = tpu.vector_load_idx %arg6[%add3A_617] : memref<6144xf32, #tpu.memory_space<vmem>>[vector<16xi32>], vector<16xf32>,
    %add3A_619 = arith.constant 51202 : i32
    %add3A_620 = vector.broadcast %add3A_619 : i32 to vector<16xi32>
    %add3A_621 = arith.addi %mul3A_25, %add3A_620 : vector<16xi32>
    tpu.vector_store_idx %arg7[%add3A_621], %gather3A_618 : memref<65536xf32, #tpu.memory_space<vmem>>[vector<16xi32>], vector<16xf32>,
    %get3A_622 = arith.constant 416 : index
    %get3A_623 = tpu.vector_load %arg5[%get3A_622] {strides = array<i32>} : memref<512xi32, #tpu.memory_space<vmem>>, vector<16xi32>,
    %add3A_624 = arith.constant 0 : i32
    %add3A_625 = vector.broadcast %add3A_624 : i32 to vector<16xi32>
    %add3A_626 = arith.addi %get3A_623, %add3A_625 : vector<16xi32>
    %gather3A_627 = tpu.vector_load_idx %arg6[%add3A_626] : memref<6144xf32, #tpu.memory_space<vmem>>[vector<16xi32>], vector<16xf32>,
    %add3A_628 = arith.constant 53248 : i32
    %add3A_629 = vector.broadcast %add3A_628 : i32 to vector<16xi32>
    %add3A_630 = arith.addi %mul3A_25, %add3A_629 : vector<16xi32>
    tpu.vector_store_idx %arg7[%add3A_630], %gather3A_627 : memref<65536xf32, #tpu.memory_space<vmem>>[vector<16xi32>], vector<16xf32>,
    %add3A_631 = arith.constant 2048 : i32
    %add3A_632 = vector.broadcast %add3A_631 : i32 to vector<16xi32>
    %add3A_633 = arith.addi %get3A_623, %add3A_632 : vector<16xi32>
    %gather3A_634 = tpu.vector_load_idx %arg6[%add3A_633] : memref<6144xf32, #tpu.memory_space<vmem>>[vector<16xi32>], vector<16xf32>,
    %add3A_635 = arith.constant 53249 : i32
    %add3A_636 = vector.broadcast %add3A_635 : i32 to vector<16xi32>
    %add3A_637 = arith.addi %mul3A_25, %add3A_636 : vector<16xi32>
    tpu.vector_store_idx %arg7[%add3A_637], %gather3A_634 : memref<65536xf32, #tpu.memory_space<vmem>>[vector<16xi32>], vector<16xf32>,
    %add3A_638 = arith.constant 4096 : i32
    %add3A_639 = vector.broadcast %add3A_638 : i32 to vector<16xi32>
    %add3A_640 = arith.addi %get3A_623, %add3A_639 : vector<16xi32>
    %gather3A_641 = tpu.vector_load_idx %arg6[%add3A_640] : memref<6144xf32, #tpu.memory_space<vmem>>[vector<16xi32>], vector<16xf32>,
    %add3A_642 = arith.constant 53250 : i32
    %add3A_643 = vector.broadcast %add3A_642 : i32 to vector<16xi32>
    %add3A_644 = arith.addi %mul3A_25, %add3A_643 : vector<16xi32>
    tpu.vector_store_idx %arg7[%add3A_644], %gather3A_641 : memref<65536xf32, #tpu.memory_space<vmem>>[vector<16xi32>], vector<16xf32>,
    %get3A_645 = arith.constant 432 : index
    %get3A_646 = tpu.vector_load %arg5[%get3A_645] {strides = array<i32>} : memref<512xi32, #tpu.memory_space<vmem>>, vector<16xi32>,
    %add3A_647 = arith.constant 0 : i32
    %add3A_648 = vector.broadcast %add3A_647 : i32 to vector<16xi32>
    %add3A_649 = arith.addi %get3A_646, %add3A_648 : vector<16xi32>
    %gather3A_650 = tpu.vector_load_idx %arg6[%add3A_649] : memref<6144xf32, #tpu.memory_space<vmem>>[vector<16xi32>], vector<16xf32>,
    %add3A_651 = arith.constant 55296 : i32
    %add3A_652 = vector.broadcast %add3A_651 : i32 to vector<16xi32>
    %add3A_653 = arith.addi %mul3A_25, %add3A_652 : vector<16xi32>
    tpu.vector_store_idx %arg7[%add3A_653], %gather3A_650 : memref<65536xf32, #tpu.memory_space<vmem>>[vector<16xi32>], vector<16xf32>,
    %add3A_654 = arith.constant 2048 : i32
    %add3A_655 = vector.broadcast %add3A_654 : i32 to vector<16xi32>
    %add3A_656 = arith.addi %get3A_646, %add3A_655 : vector<16xi32>
    %gather3A_657 = tpu.vector_load_idx %arg6[%add3A_656] : memref<6144xf32, #tpu.memory_space<vmem>>[vector<16xi32>], vector<16xf32>,
    %add3A_658 = arith.constant 55297 : i32
    %add3A_659 = vector.broadcast %add3A_658 : i32 to vector<16xi32>
    %add3A_660 = arith.addi %mul3A_25, %add3A_659 : vector<16xi32>
    tpu.vector_store_idx %arg7[%add3A_660], %gather3A_657 : memref<65536xf32, #tpu.memory_space<vmem>>[vector<16xi32>], vector<16xf32>,
    %add3A_661 = arith.constant 4096 : i32
    %add3A_662 = vector.broadcast %add3A_661 : i32 to vector<16xi32>
    %add3A_663 = arith.addi %get3A_646, %add3A_662 : vector<16xi32>
    %gather3A_664 = tpu.vector_load_idx %arg6[%add3A_663] : memref<6144xf32, #tpu.memory_space<vmem>>[vector<16xi32>], vector<16xf32>,
    %add3A_665 = arith.constant 55298 : i32
    %add3A_666 = vector.broadcast %add3A_665 : i32 to vector<16xi32>
    %add3A_667 = arith.addi %mul3A_25, %add3A_666 : vector<16xi32>
    tpu.vector_store_idx %arg7[%add3A_667], %gather3A_664 : memref<65536xf32, #tpu.memory_space<vmem>>[vector<16xi32>], vector<16xf32>,
    %get3A_668 = arith.constant 448 : index
    %get3A_669 = tpu.vector_load %arg5[%get3A_668] {strides = array<i32>} : memref<512xi32, #tpu.memory_space<vmem>>, vector<16xi32>,
    %add3A_670 = arith.constant 0 : i32
    %add3A_671 = vector.broadcast %add3A_670 : i32 to vector<16xi32>
    %add3A_672 = arith.addi %get3A_669, %add3A_671 : vector<16xi32>
    %gather3A_673 = tpu.vector_load_idx %arg6[%add3A_672] : memref<6144xf32, #tpu.memory_space<vmem>>[vector<16xi32>], vector<16xf32>,
    %add3A_674 = arith.constant 57344 : i32
    %add3A_675 = vector.broadcast %add3A_674 : i32 to vector<16xi32>
    %add3A_676 = arith.addi %mul3A_25, %add3A_675 : vector<16xi32>
    tpu.vector_store_idx %arg7[%add3A_676], %gather3A_673 : memref<65536xf32, #tpu.memory_space<vmem>>[vector<16xi32>], vector<16xf32>,
    %add3A_677 = arith.constant 2048 : i32
    %add3A_678 = vector.broadcast %add3A_677 : i32 to vector<16xi32>
    %add3A_679 = arith.addi %get3A_669, %add3A_678 : vector<16xi32>
    %gather3A_680 = tpu.vector_load_idx %arg6[%add3A_679] : memref<6144xf32, #tpu.memory_space<vmem>>[vector<16xi32>], vector<16xf32>,
    %add3A_681 = arith.constant 57345 : i32
    %add3A_682 = vector.broadcast %add3A_681 : i32 to vector<16xi32>
    %add3A_683 = arith.addi %mul3A_25, %add3A_682 : vector<16xi32>
    tpu.vector_store_idx %arg7[%add3A_683], %gather3A_680 : memref<65536xf32, #tpu.memory_space<vmem>>[vector<16xi32>], vector<16xf32>,
    %add3A_684 = arith.constant 4096 : i32
    %add3A_685 = vector.broadcast %add3A_684 : i32 to vector<16xi32>
    %add3A_686 = arith.addi %get3A_669, %add3A_685 : vector<16xi32>
    %gather3A_687 = tpu.vector_load_idx %arg6[%add3A_686] : memref<6144xf32, #tpu.memory_space<vmem>>[vector<16xi32>], vector<16xf32>,
    %add3A_688 = arith.constant 57346 : i32
    %add3A_689 = vector.broadcast %add3A_688 : i32 to vector<16xi32>
    %add3A_690 = arith.addi %mul3A_25, %add3A_689 : vector<16xi32>
    tpu.vector_store_idx %arg7[%add3A_690], %gather3A_687 : memref<65536xf32, #tpu.memory_space<vmem>>[vector<16xi32>], vector<16xf32>,
    %get3A_691 = arith.constant 464 : index
    %get3A_692 = tpu.vector_load %arg5[%get3A_691] {strides = array<i32>} : memref<512xi32, #tpu.memory_space<vmem>>, vector<16xi32>,
    %add3A_693 = arith.constant 0 : i32
    %add3A_694 = vector.broadcast %add3A_693 : i32 to vector<16xi32>
    %add3A_695 = arith.addi %get3A_692, %add3A_694 : vector<16xi32>
    %gather3A_696 = tpu.vector_load_idx %arg6[%add3A_695] : memref<6144xf32, #tpu.memory_space<vmem>>[vector<16xi32>], vector<16xf32>,
    %add3A_697 = arith.constant 59392 : i32
    %add3A_698 = vector.broadcast %add3A_697 : i32 to vector<16xi32>
    %add3A_699 = arith.addi %mul3A_25, %add3A_698 : vector<16xi32>
    tpu.vector_store_idx %arg7[%add3A_699], %gather3A_696 : memref<65536xf32, #tpu.memory_space<vmem>>[vector<16xi32>], vector<16xf32>,
    %add3A_700 = arith.constant 2048 : i32
    %add3A_701 = vector.broadcast %add3A_700 : i32 to vector<16xi32>
    %add3A_702 = arith.addi %get3A_692, %add3A_701 : vector<16xi32>
    %gather3A_703 = tpu.vector_load_idx %arg6[%add3A_702] : memref<6144xf32, #tpu.memory_space<vmem>>[vector<16xi32>], vector<16xf32>,
    %add3A_704 = arith.constant 59393 : i32
    %add3A_705 = vector.broadcast %add3A_704 : i32 to vector<16xi32>
    %add3A_706 = arith.addi %mul3A_25, %add3A_705 : vector<16xi32>
    tpu.vector_store_idx %arg7[%add3A_706], %gather3A_703 : memref<65536xf32, #tpu.memory_space<vmem>>[vector<16xi32>], vector<16xf32>,
    %add3A_707 = arith.constant 4096 : i32
    %add3A_708 = vector.broadcast %add3A_707 : i32 to vector<16xi32>
    %add3A_709 = arith.addi %get3A_692, %add3A_708 : vector<16xi32>
    %gather3A_710 = tpu.vector_load_idx %arg6[%add3A_709] : memref<6144xf32, #tpu.memory_space<vmem>>[vector<16xi32>], vector<16xf32>,
    %add3A_711 = arith.constant 59394 : i32
    %add3A_712 = vector.broadcast %add3A_711 : i32 to vector<16xi32>
    %add3A_713 = arith.addi %mul3A_25, %add3A_712 : vector<16xi32>
    tpu.vector_store_idx %arg7[%add3A_713], %gather3A_710 : memref<65536xf32, #tpu.memory_space<vmem>>[vector<16xi32>], vector<16xf32>,
    %get3A_714 = arith.constant 480 : index
    %get3A_715 = tpu.vector_load %arg5[%get3A_714] {strides = array<i32>} : memref<512xi32, #tpu.memory_space<vmem>>, vector<16xi32>,
    %add3A_716 = arith.constant 0 : i32
    %add3A_717 = vector.broadcast %add3A_716 : i32 to vector<16xi32>
    %add3A_718 = arith.addi %get3A_715, %add3A_717 : vector<16xi32>
    %gather3A_719 = tpu.vector_load_idx %arg6[%add3A_718] : memref<6144xf32, #tpu.memory_space<vmem>>[vector<16xi32>], vector<16xf32>,
    %add3A_720 = arith.constant 61440 : i32
    %add3A_721 = vector.broadcast %add3A_720 : i32 to vector<16xi32>
    %add3A_722 = arith.addi %mul3A_25, %add3A_721 : vector<16xi32>
    tpu.vector_store_idx %arg7[%add3A_722], %gather3A_719 : memref<65536xf32, #tpu.memory_space<vmem>>[vector<16xi32>], vector<16xf32>,
    %add3A_723 = arith.constant 2048 : i32
    %add3A_724 = vector.broadcast %add3A_723 : i32 to vector<16xi32>
    %add3A_725 = arith.addi %get3A_715, %add3A_724 : vector<16xi32>
    %gather3A_726 = tpu.vector_load_idx %arg6[%add3A_725] : memref<6144xf32, #tpu.memory_space<vmem>>[vector<16xi32>], vector<16xf32>,
    %add3A_727 = arith.constant 61441 : i32
    %add3A_728 = vector.broadcast %add3A_727 : i32 to vector<16xi32>
    %add3A_729 = arith.addi %mul3A_25, %add3A_728 : vector<16xi32>
    tpu.vector_store_idx %arg7[%add3A_729], %gather3A_726 : memref<65536xf32, #tpu.memory_space<vmem>>[vector<16xi32>], vector<16xf32>,
    %add3A_730 = arith.constant 4096 : i32
    %add3A_731 = vector.broadcast %add3A_730 : i32 to vector<16xi32>
    %add3A_732 = arith.addi %get3A_715, %add3A_731 : vector<16xi32>
    %gather3A_733 = tpu.vector_load_idx %arg6[%add3A_732] : memref<6144xf32, #tpu.memory_space<vmem>>[vector<16xi32>], vector<16xf32>,
    %add3A_734 = arith.constant 61442 : i32
    %add3A_735 = vector.broadcast %add3A_734 : i32 to vector<16xi32>
    %add3A_736 = arith.addi %mul3A_25, %add3A_735 : vector<16xi32>
    tpu.vector_store_idx %arg7[%add3A_736], %gather3A_733 : memref<65536xf32, #tpu.memory_space<vmem>>[vector<16xi32>], vector<16xf32>,
    %get3A_737 = arith.constant 496 : index
    %get3A_738 = tpu.vector_load %arg5[%get3A_737] {strides = array<i32>} : memref<512xi32, #tpu.memory_space<vmem>>, vector<16xi32>,
    %add3A_739 = arith.constant 0 : i32
    %add3A_740 = vector.broadcast %add3A_739 : i32 to vector<16xi32>
    %add3A_741 = arith.addi %get3A_738, %add3A_740 : vector<16xi32>
    %gather3A_742 = tpu.vector_load_idx %arg6[%add3A_741] : memref<6144xf32, #tpu.memory_space<vmem>>[vector<16xi32>], vector<16xf32>,
    %add3A_743 = arith.constant 63488 : i32
    %add3A_744 = vector.broadcast %add3A_743 : i32 to vector<16xi32>
    %add3A_745 = arith.addi %mul3A_25, %add3A_744 : vector<16xi32>
    tpu.vector_store_idx %arg7[%add3A_745], %gather3A_742 : memref<65536xf32, #tpu.memory_space<vmem>>[vector<16xi32>], vector<16xf32>,
    %add3A_746 = arith.constant 2048 : i32
    %add3A_747 = vector.broadcast %add3A_746 : i32 to vector<16xi32>
    %add3A_748 = arith.addi %get3A_738, %add3A_747 : vector<16xi32>
    %gather3A_749 = tpu.vector_load_idx %arg6[%add3A_748] : memref<6144xf32, #tpu.memory_space<vmem>>[vector<16xi32>], vector<16xf32>,
    %add3A_750 = arith.constant 63489 : i32
    %add3A_751 = vector.broadcast %add3A_750 : i32 to vector<16xi32>
    %add3A_752 = arith.addi %mul3A_25, %add3A_751 : vector<16xi32>
    tpu.vector_store_idx %arg7[%add3A_752], %gather3A_749 : memref<65536xf32, #tpu.memory_space<vmem>>[vector<16xi32>], vector<16xf32>,
    %add3A_753 = arith.constant 4096 : i32
    %add3A_754 = vector.broadcast %add3A_753 : i32 to vector<16xi32>
    %add3A_755 = arith.addi %get3A_738, %add3A_754 : vector<16xi32>
    %gather3A_756 = tpu.vector_load_idx %arg6[%add3A_755] : memref<6144xf32, #tpu.memory_space<vmem>>[vector<16xi32>], vector<16xf32>,
    %add3A_757 = arith.constant 63490 : i32
    %add3A_758 = vector.broadcast %add3A_757 : i32 to vector<16xi32>
    %add3A_759 = arith.addi %mul3A_25, %add3A_758 : vector<16xi32>
    tpu.vector_store_idx %arg7[%add3A_759], %gather3A_756 : memref<65536xf32, #tpu.memory_space<vmem>>[vector<16xi32>], vector<16xf32>,
    %mul3A_760 = arith.constant 128 : i32
    %mul3A_761 = arith.muli %mul3A_18, %mul3A_760 : i32
    "tpu.region"() ({
      %run_scoped3A = tpu.sem_alloc : memref<!tpu.dma_semaphore, #tpu.memory_space<semaphore_mem>>
      %dma_start3A = tpu.memref_slice %arg4[%mul3A_761] : memref<2097152xf32, #tpu.memory_space<hbm>> -> memref<65536xf32, #tpu.memory_space<hbm>>
      %dma_start3A_762 = tpu.memref_slice %arg4[%mul3A_761] : memref<2097152xf32, #tpu.memory_space<hbm>> -> memref<65536xf32, #tpu.memory_space<hbm>>
      tpu.enqueue_dma source(%arg7 : memref<65536xf32, #tpu.memory_space<vmem>>) target(%dma_start3A_762 : memref<65536xf32, #tpu.memory_space<hbm>>) target_semaphore(%run_scoped3A : memref<!tpu.dma_semaphore, #tpu.memory_space<semaphore_mem>>)
      %dma_wait3A = tpu.memref_slice %arg4[%mul3A_761] : memref<2097152xf32, #tpu.memory_space<hbm>> -> memref<65536xf32, #tpu.memory_space<hbm>>
      %dma_wait3A_763 = tpu.memref_slice %arg4[%mul3A_761] : memref<2097152xf32, #tpu.memory_space<hbm>> -> memref<65536xf32, #tpu.memory_space<hbm>>
      tpu.wait_dma2 semaphore(%run_scoped3A : memref<!tpu.dma_semaphore, #tpu.memory_space<semaphore_mem>>) src(%arg7 : memref<65536xf32, #tpu.memory_space<vmem>>) dst(%dma_wait3A_763 : memref<65536xf32, #tpu.memory_space<hbm>>)
      tpu.yield
    }) : () -> ()
    return
  }
}

module attributes {stable_mosaic.version = 14 : i64} {
  func.func @_nn_kernel(%arg0: i32, %arg1: i32, %arg2: memref<1x3x2048xf32, #tpu.memory_space<vmem>>, %arg3: memref<1x3x2048xf32, #tpu.memory_space<vmem>>, %arg4: memref<1x1x1x2048xi32, #tpu.memory_space<vmem>>, %arg5: memref<1x1x2048xf32, #tpu.memory_space<vmem>>) attributes {dimension_semantics = [#tpu.dimension_semantics<arbitrary>, #tpu.dimension_semantics<arbitrary>], iteration_bounds = array<i64: 8, 1>, scalar_prefetch = 0 : i64, scratch_operands = 0 : i64, tpu.core_type = #tpu.core_type<tc>, window_params = [{transform_indices = @transform_0, window_bounds = array<i64: 1, 3, 2048>}, {transform_indices = @transform_1, window_bounds = array<i64: 1, 3, 2048>}, {transform_indices = @transform_2, window_bounds = array<i64: 1, 1, 1, 2048>}, {transform_indices = @transform_3, window_bounds = array<i64: 1, 1, 2048>}]} {
    %iota3A = tpu.iota {dimensions = array<i32: 1>} : vector<2048x2048xi32>
    %add3A = arith.constant 134217728 : i32
    %add3A_0 = vector.broadcast %add3A : i32 to vector<2048x2048xi32>
    %add3A_1 = arith.addi %iota3A, %add3A_0 : vector<2048x2048xi32>
    %mul3A = arith.constant 2048 : i32
    %mul3A_2 = arith.muli %arg1, %mul3A : i32
    %get3A = arith.constant 0 : index
    %get3A_3 = arith.constant 0 : index
    %get3A_4 = arith.index_cast %mul3A_2 : i32 to index
    %get3A_5 = vector.load %arg2[%get3A, %get3A_3, %get3A_4] : memref<1x3x2048xf32, #tpu.memory_space<vmem>>, vector<1x1x2048xf32>
    %get3A_6 = vector.shape_cast %get3A_5 : vector<1x1x2048xf32> to vector<1x2048xf32>
    %transpose3A = tpu.transpose %get3A_6, [1, 0] : vector<1x2048xf32> -> vector<2048x1xf32>
    %get3A_7 = arith.constant 0 : index
    %get3A_8 = arith.constant 0 : index
    %get3A_9 = arith.constant 0 : index
    %get3A_10 = vector.load %arg3[%get3A_7, %get3A_8, %get3A_9] : memref<1x3x2048xf32, #tpu.memory_space<vmem>>, vector<1x1x2048xf32>
    %get3A_11 = vector.shape_cast %get3A_10 : vector<1x1x2048xf32> to vector<1x2048xf32>
    %sub3A = vector.broadcast %transpose3A : vector<2048x1xf32> to vector<2048x2048xf32>
    %sub3A_12 = vector.broadcast %get3A_11 : vector<1x2048xf32> to vector<2048x2048xf32>
    %sub3A_13 = arith.subf %sub3A, %sub3A_12 : vector<2048x2048xf32>
    %abs3A = math.absf %sub3A_13 : vector<2048x2048xf32>
    %mul3A_14 = arith.constant 2048 : i32
    %mul3A_15 = arith.muli %arg1, %mul3A_14 : i32
    %get3A_16 = arith.constant 0 : index
    %get3A_17 = arith.constant 1 : index
    %get3A_18 = arith.index_cast %mul3A_15 : i32 to index
    %get3A_19 = vector.load %arg2[%get3A_16, %get3A_17, %get3A_18] : memref<1x3x2048xf32, #tpu.memory_space<vmem>>, vector<1x1x2048xf32>
    %get3A_20 = vector.shape_cast %get3A_19 : vector<1x1x2048xf32> to vector<1x2048xf32>
    %transpose3A_21 = tpu.transpose %get3A_20, [1, 0] : vector<1x2048xf32> -> vector<2048x1xf32>
    %get3A_22 = arith.constant 0 : index
    %get3A_23 = arith.constant 1 : index
    %get3A_24 = arith.constant 0 : index
    %get3A_25 = vector.load %arg3[%get3A_22, %get3A_23, %get3A_24] : memref<1x3x2048xf32, #tpu.memory_space<vmem>>, vector<1x1x2048xf32>
    %get3A_26 = vector.shape_cast %get3A_25 : vector<1x1x2048xf32> to vector<1x2048xf32>
    %sub3A_27 = vector.broadcast %transpose3A_21 : vector<2048x1xf32> to vector<2048x2048xf32>
    %sub3A_28 = vector.broadcast %get3A_26 : vector<1x2048xf32> to vector<2048x2048xf32>
    %sub3A_29 = arith.subf %sub3A_27, %sub3A_28 : vector<2048x2048xf32>
    %abs3A_30 = math.absf %sub3A_29 : vector<2048x2048xf32>
    %add3A_31 = arith.addf %abs3A, %abs3A_30 : vector<2048x2048xf32>
    %mul3A_32 = arith.constant 2048 : i32
    %mul3A_33 = arith.muli %arg1, %mul3A_32 : i32
    %get3A_34 = arith.constant 0 : index
    %get3A_35 = arith.constant 2 : index
    %get3A_36 = arith.index_cast %mul3A_33 : i32 to index
    %get3A_37 = vector.load %arg2[%get3A_34, %get3A_35, %get3A_36] : memref<1x3x2048xf32, #tpu.memory_space<vmem>>, vector<1x1x2048xf32>
    %get3A_38 = vector.shape_cast %get3A_37 : vector<1x1x2048xf32> to vector<1x2048xf32>
    %transpose3A_39 = tpu.transpose %get3A_38, [1, 0] : vector<1x2048xf32> -> vector<2048x1xf32>
    %get3A_40 = arith.constant 0 : index
    %get3A_41 = arith.constant 2 : index
    %get3A_42 = arith.constant 0 : index
    %get3A_43 = vector.load %arg3[%get3A_40, %get3A_41, %get3A_42] : memref<1x3x2048xf32, #tpu.memory_space<vmem>>, vector<1x1x2048xf32>
    %get3A_44 = vector.shape_cast %get3A_43 : vector<1x1x2048xf32> to vector<1x2048xf32>
    %sub3A_45 = vector.broadcast %transpose3A_39 : vector<2048x1xf32> to vector<2048x2048xf32>
    %sub3A_46 = vector.broadcast %get3A_44 : vector<1x2048xf32> to vector<2048x2048xf32>
    %sub3A_47 = arith.subf %sub3A_45, %sub3A_46 : vector<2048x2048xf32>
    %abs3A_48 = math.absf %sub3A_47 : vector<2048x2048xf32>
    %add3A_49 = arith.addf %add3A_31, %abs3A_48 : vector<2048x2048xf32>
    %bitcast_convert_type3A = tpu.bitcast %add3A_49 : vector<2048x2048xf32> -> vector<2048x2048xi32>
    %and3A = arith.constant -2048 : i32
    %and3A_50 = vector.broadcast %and3A : i32 to vector<2048x2048xi32>
    %and3A_51 = arith.andi %bitcast_convert_type3A, %and3A_50 : vector<2048x2048xi32>
    %add3A_52 = arith.addi %and3A_51, %add3A_1 : vector<2048x2048xi32>
    %bitcast_convert_type3A_53 = tpu.bitcast %add3A_52 : vector<2048x2048xi32> -> vector<2048x2048xf32>
    %reduce_min3A = arith.constant dense<0x7F800000> : vector<2048xf32>
    %reduce_min3A_54 = vector.multi_reduction <minimumf>, %bitcast_convert_type3A_53, %reduce_min3A [1] : vector<2048x2048xf32> to vector<2048xf32>
    %broadcast_in_dim3A = vector.shape_cast %reduce_min3A_54 : vector<2048xf32> to vector<2048x1xf32>
    %bitcast_convert_type3A_55 = tpu.bitcast %broadcast_in_dim3A : vector<2048x1xf32> -> vector<2048x1xi32>
    %and3A_56 = arith.constant 2047 : i32
    %and3A_57 = vector.broadcast %and3A_56 : i32 to vector<2048x1xi32>
    %and3A_58 = arith.andi %bitcast_convert_type3A_55, %and3A_57 : vector<2048x1xi32>
    %transpose3A_59 = tpu.transpose %and3A_58, [1, 0] : vector<2048x1xi32> -> vector<1x2048xi32>
    %squeeze3A = vector.shape_cast %transpose3A_59 : vector<1x2048xi32> to vector<2048xi32>
    %swap3A = arith.constant 0 : index
    %swap3A_60 = arith.constant 0 : index
    %swap3A_61 = arith.constant 0 : index
    %swap3A_62 = arith.constant 0 : index
    %swap3A_63 = vector.load %arg4[%swap3A, %swap3A_60, %swap3A_61, %swap3A_62] : memref<1x1x1x2048xi32, #tpu.memory_space<vmem>>, vector<1x1x1x2048xi32>
    %swap3A_64 = vector.shape_cast %swap3A_63 : vector<1x1x1x2048xi32> to vector<2048xi32>
    %swap3A_65 = vector.shape_cast %squeeze3A : vector<2048xi32> to vector<1x1x1x2048xi32>
    tpu.vector_store %arg4[%swap3A, %swap3A_60, %swap3A_61, %swap3A_62], %swap3A_65 {strides = array<i32>} : memref<1x1x1x2048xi32, #tpu.memory_space<vmem>>, vector<1x1x1x2048xi32>,
    %eq3A = vector.broadcast %broadcast_in_dim3A : vector<2048x1xf32> to vector<2048x2048xf32>
    %eq3A_66 = arith.cmpf oeq, %bitcast_convert_type3A_53, %eq3A : vector<2048x2048xf32>
    %convert_element_type3A = arith.extui %eq3A_66 : vector<2048x2048xi1> to vector<2048x2048xi32>
    %convert_element_type3A_67 = arith.sitofp %convert_element_type3A : vector<2048x2048xi32> to vector<2048x2048xf32>
    %eq3A_68 = arith.constant 0 : i32
    %eq3A_69 = arith.cmpi eq, %arg1, %eq3A_68 : i32
    %convert_element_type3A_70 = arith.extui %eq3A_69 : i1 to i32
    %cond3A = arith.constant 0 : i32
    %cond3A_71 = arith.cmpi ne, %convert_element_type3A_70, %cond3A : i32
    scf.if %cond3A_71 {
      %broadcast_in_dim3A_86 = arith.constant 0.000000e+00 : f32
      %broadcast_in_dim3A_87 = vector.broadcast %broadcast_in_dim3A_86 : f32 to vector<1x1x2048xf32>
      %swap3A_88 = arith.constant 0 : index
      %swap3A_89 = arith.constant 0 : index
      %swap3A_90 = arith.constant 0 : index
      %swap3A_91 = vector.load %arg5[%swap3A_88, %swap3A_89, %swap3A_90] : memref<1x1x2048xf32, #tpu.memory_space<vmem>>, vector<1x1x2048xf32>
      tpu.vector_store %arg5[%swap3A_88, %swap3A_89, %swap3A_90], %broadcast_in_dim3A_87 {strides = array<i32>} : memref<1x1x2048xf32, #tpu.memory_space<vmem>>, vector<1x1x2048xf32>,
    } else {
    }
    %get3A_72 = arith.constant 0 : index
    %get3A_73 = arith.constant 0 : index
    %get3A_74 = arith.constant 0 : index
    %get3A_75 = vector.load %arg5[%get3A_72, %get3A_73, %get3A_74] : memref<1x1x2048xf32, #tpu.memory_space<vmem>>, vector<1x1x2048xf32>
    %get3A_76 = vector.shape_cast %get3A_75 : vector<1x1x2048xf32> to vector<1x2048xf32>
    %reduce_sum3A = arith.constant dense<0.000000e+00> : vector<2048xf32>
    %reduce_sum3A_77 = vector.multi_reduction <add>, %convert_element_type3A_67, %reduce_sum3A [0] : vector<2048x2048xf32> to vector<2048xf32>
    %broadcast_in_dim3A_78 = vector.shape_cast %reduce_sum3A_77 : vector<2048xf32> to vector<1x2048xf32>
    %add3A_79 = arith.addf %get3A_76, %broadcast_in_dim3A_78 : vector<1x2048xf32>
    %swap3A_80 = arith.constant 0 : index
    %swap3A_81 = arith.constant 0 : index
    %swap3A_82 = arith.constant 0 : index
    %swap3A_83 = vector.load %arg5[%swap3A_80, %swap3A_81, %swap3A_82] : memref<1x1x2048xf32, #tpu.memory_space<vmem>>, vector<1x1x2048xf32>
    %swap3A_84 = vector.shape_cast %swap3A_83 : vector<1x1x2048xf32> to vector<1x2048xf32>
    %swap3A_85 = vector.shape_cast %add3A_79 : vector<1x2048xf32> to vector<1x1x2048xf32>
    tpu.vector_store %arg5[%swap3A_80, %swap3A_81, %swap3A_82], %swap3A_85 {strides = array<i32>} : memref<1x1x2048xf32, #tpu.memory_space<vmem>>, vector<1x1x2048xf32>,
    return
  }
  func.func @transform_0(%arg0: i32, %arg1: i32) -> (i32, i32, i32) {
    %c0_i32 = arith.constant 0 : i32
    %c0_i32_0 = arith.constant 0 : i32
    %c0_i32_1 = arith.constant 0 : i32
    return %arg0, %c0_i32, %c0_i32_0 : i32, i32, i32
  }
  func.func @transform_1(%arg0: i32, %arg1: i32) -> (i32, i32, i32) {
    %c0_i32 = arith.constant 0 : i32
    %c0_i32_0 = arith.constant 0 : i32
    %c0_i32_1 = arith.constant 0 : i32
    return %arg0, %c0_i32, %c0_i32_0 : i32, i32, i32
  }
  func.func @transform_2(%arg0: i32, %arg1: i32) -> (i32, i32, i32, i32) {
    %c0_i32 = arith.constant 0 : i32
    %c0_i32_0 = arith.constant 0 : i32
    %c0_i32_1 = arith.constant 0 : i32
    return %arg0, %arg1, %c0_i32, %c0_i32_0 : i32, i32, i32, i32
  }
  func.func @transform_3(%arg0: i32, %arg1: i32) -> (i32, i32, i32) {
    %c0_i32 = arith.constant 0 : i32
    %c0_i32_0 = arith.constant 0 : i32
    %c0_i32_1 = arith.constant 0 : i32
    return %arg0, %c0_i32, %c0_i32_0 : i32, i32, i32
  }
}

module attributes {stable_mosaic.version = 14 : i64} {
  func.func @_head_kernel(%arg0: i32, %arg1: memref<1x1x2048xf32, #tpu.memory_space<vmem>>, %arg2: memref<1x2048x768xf32, #tpu.memory_space<vmem>>, %arg3: memref<768x768xf32, #tpu.memory_space<vmem>>, %arg4: memref<1x768xf32, #tpu.memory_space<vmem>>, %arg5: memref<768x768xf32, #tpu.memory_space<vmem>>, %arg6: memref<1x768xf32, #tpu.memory_space<vmem>>, %arg7: memref<768x1000xf32, #tpu.memory_space<vmem>>, %arg8: memref<1x1000xf32, #tpu.memory_space<vmem>>, %arg9: memref<8x1000xf32, #tpu.memory_space<vmem>>, %arg10: memref<8x768xf32, #tpu.memory_space<vmem>>) attributes {dimension_semantics = [#tpu.dimension_semantics<arbitrary>], iteration_bounds = array<i64: 8>, scalar_prefetch = 0 : i64, scratch_operands = 1 : i64, tpu.core_type = #tpu.core_type<tc>, window_params = [{transform_indices = @transform_0, window_bounds = array<i64: 1, 1, 2048>}, {transform_indices = @transform_1, window_bounds = array<i64: 1, 2048, 768>}, {pipeline_mode = #tpu.pipeline_mode<synchronous>, transform_indices = @transform_2, window_bounds = array<i64: 768, 768>}, {pipeline_mode = #tpu.pipeline_mode<synchronous>, transform_indices = @transform_3, window_bounds = array<i64: 1, 768>}, {pipeline_mode = #tpu.pipeline_mode<synchronous>, transform_indices = @transform_4, window_bounds = array<i64: 768, 768>}, {pipeline_mode = #tpu.pipeline_mode<synchronous>, transform_indices = @transform_5, window_bounds = array<i64: 1, 768>}, {pipeline_mode = #tpu.pipeline_mode<synchronous>, transform_indices = @transform_6, window_bounds = array<i64: 768, 1000>}, {pipeline_mode = #tpu.pipeline_mode<synchronous>, transform_indices = @transform_7, window_bounds = array<i64: 1, 1000>}, {pipeline_mode = #tpu.pipeline_mode<synchronous>, transform_indices = @transform_8, window_bounds = array<i64: 8, 1000>}]} {
    %get3A = arith.constant 0 : index
    %get3A_0 = arith.constant 0 : index
    %get3A_1 = arith.constant 0 : index
    %get3A_2 = vector.load %arg1[%get3A, %get3A_0, %get3A_1] : memref<1x1x2048xf32, #tpu.memory_space<vmem>>, vector<1x1x2048xf32>
    %get3A_3 = vector.shape_cast %get3A_2 : vector<1x1x2048xf32> to vector<1x2048xf32>
    %get3A_4 = arith.constant 0 : index
    %get3A_5 = arith.constant 0 : index
    %get3A_6 = arith.constant 0 : index
    %get3A_7 = vector.load %arg2[%get3A_4, %get3A_5, %get3A_6] : memref<1x2048x768xf32, #tpu.memory_space<vmem>>, vector<1x2048x768xf32>
    %get3A_8 = vector.shape_cast %get3A_7 : vector<1x2048x768xf32> to vector<2048x768xf32>
    %dot_general3A = arith.constant dense<0.000000e+00> : vector<1x768xf32>
    %dot_general3A_9 = tpu.matmul %get3A_3, %get3A_8, %dot_general3A {dimension_numbers = #tpu.dot_dimension_numbers<[1], [0], [0], [1], [0, 0, 1, 1], [], []>, precision = #tpu.contract_precision<fp32>, transpose_lhs_hint = false} : vector<1x2048xf32>, vector<2048x768xf32>, vector<1x768xf32> -> vector<1x768xf32>
    %mul3A = arith.constant 4.8828125E-4 : f32
    %mul3A_10 = vector.broadcast %mul3A : f32 to vector<1x768xf32>
    %mul3A_11 = arith.mulf %dot_general3A_9, %mul3A_10 : vector<1x768xf32>
    %swap3A = arith.index_cast %arg0 : i32 to index
    %swap3A_12 = arith.constant 0 : index
    %swap3A_13 = vector.load %arg10[%swap3A, %swap3A_12] : memref<8x768xf32, #tpu.memory_space<vmem>>, vector<1x768xf32>
    tpu.vector_store %arg10[%swap3A, %swap3A_12], %mul3A_11 {strides = array<i32>} : memref<8x768xf32, #tpu.memory_space<vmem>>, vector<1x768xf32>,
    %eq3A = arith.constant 7 : i32
    %eq3A_14 = arith.cmpi eq, %arg0, %eq3A : i32
    %convert_element_type3A = arith.extui %eq3A_14 : i1 to i32
    %cond3A = arith.constant 0 : i32
    %cond3A_15 = arith.cmpi ne, %convert_element_type3A, %cond3A : i32
    scf.if %cond3A_15 {
      %get3A_16 = arith.constant 0 : index
      %get3A_17 = arith.constant 0 : index
      %get3A_18 = vector.load %arg10[%get3A_16, %get3A_17] : memref<8x768xf32, #tpu.memory_space<vmem>>, vector<8x768xf32>
      %get3A_19 = arith.constant 0 : index
      %get3A_20 = arith.constant 0 : index
      %get3A_21 = vector.load %arg3[%get3A_19, %get3A_20] : memref<768x768xf32, #tpu.memory_space<vmem>>, vector<768x768xf32>
      %dot_general3A_22 = arith.constant dense<0.000000e+00> : vector<8x768xf32>
      %dot_general3A_23 = tpu.matmul %get3A_18, %get3A_21, %dot_general3A_22 {dimension_numbers = #tpu.dot_dimension_numbers<[1], [0], [0], [1], [0, 0, 1, 1], [], []>, precision = #tpu.contract_precision<fp32>, transpose_lhs_hint = false} : vector<8x768xf32>, vector<768x768xf32>, vector<8x768xf32> -> vector<8x768xf32>
      %get3A_24 = arith.constant 0 : index
      %get3A_25 = arith.constant 0 : index
      %get3A_26 = vector.load %arg4[%get3A_24, %get3A_25] : memref<1x768xf32, #tpu.memory_space<vmem>>, vector<1x768xf32>
      %add3A = vector.broadcast %get3A_26 : vector<1x768xf32> to vector<8x768xf32>
      %add3A_27 = arith.addf %dot_general3A_23, %add3A : vector<8x768xf32>
      %max3A = arith.constant 0.000000e+00 : f32
      %max3A_28 = vector.broadcast %max3A : f32 to vector<8x768xf32>
      %max3A_29 = arith.maximumf %add3A_27, %max3A_28 : vector<8x768xf32>
      %get3A_30 = arith.constant 0 : index
      %get3A_31 = arith.constant 0 : index
      %get3A_32 = vector.load %arg5[%get3A_30, %get3A_31] : memref<768x768xf32, #tpu.memory_space<vmem>>, vector<768x768xf32>
      %dot_general3A_33 = arith.constant dense<0.000000e+00> : vector<8x768xf32>
      %dot_general3A_34 = tpu.matmul %max3A_29, %get3A_32, %dot_general3A_33 {dimension_numbers = #tpu.dot_dimension_numbers<[1], [0], [0], [1], [0, 0, 1, 1], [], []>, precision = #tpu.contract_precision<fp32>, transpose_lhs_hint = false} : vector<8x768xf32>, vector<768x768xf32>, vector<8x768xf32> -> vector<8x768xf32>
      %get3A_35 = arith.constant 0 : index
      %get3A_36 = arith.constant 0 : index
      %get3A_37 = vector.load %arg6[%get3A_35, %get3A_36] : memref<1x768xf32, #tpu.memory_space<vmem>>, vector<1x768xf32>
      %add3A_38 = vector.broadcast %get3A_37 : vector<1x768xf32> to vector<8x768xf32>
      %add3A_39 = arith.addf %dot_general3A_34, %add3A_38 : vector<8x768xf32>
      %max3A_40 = arith.constant 0.000000e+00 : f32
      %max3A_41 = vector.broadcast %max3A_40 : f32 to vector<8x768xf32>
      %max3A_42 = arith.maximumf %add3A_39, %max3A_41 : vector<8x768xf32>
      %get3A_43 = arith.constant 0 : index
      %get3A_44 = arith.constant 0 : index
      %get3A_45 = vector.load %arg7[%get3A_43, %get3A_44] : memref<768x1000xf32, #tpu.memory_space<vmem>>, vector<768x1000xf32>
      %dot_general3A_46 = arith.constant dense<0.000000e+00> : vector<8x1000xf32>
      %dot_general3A_47 = tpu.matmul %max3A_42, %get3A_45, %dot_general3A_46 {dimension_numbers = #tpu.dot_dimension_numbers<[1], [0], [0], [1], [0, 0, 1, 1], [], []>, precision = #tpu.contract_precision<fp32>, transpose_lhs_hint = false} : vector<8x768xf32>, vector<768x1000xf32>, vector<8x1000xf32> -> vector<8x1000xf32>
      %get3A_48 = arith.constant 0 : index
      %get3A_49 = arith.constant 0 : index
      %get3A_50 = vector.load %arg8[%get3A_48, %get3A_49] : memref<1x1000xf32, #tpu.memory_space<vmem>>, vector<1x1000xf32>
      %add3A_51 = vector.broadcast %get3A_50 : vector<1x1000xf32> to vector<8x1000xf32>
      %add3A_52 = arith.addf %dot_general3A_47, %add3A_51 : vector<8x1000xf32>
      %swap3A_53 = arith.constant 0 : index
      %swap3A_54 = arith.constant 0 : index
      %swap3A_55 = vector.load %arg9[%swap3A_53, %swap3A_54] : memref<8x1000xf32, #tpu.memory_space<vmem>>, vector<8x1000xf32>
      tpu.vector_store %arg9[%swap3A_53, %swap3A_54], %add3A_52 {strides = array<i32>} : memref<8x1000xf32, #tpu.memory_space<vmem>>, vector<8x1000xf32>,
    } else {
    }
    return
  }
  func.func @transform_0(%arg0: i32) -> (i32, i32, i32) {
    %c0_i32 = arith.constant 0 : i32
    %c0_i32_0 = arith.constant 0 : i32
    %c0_i32_1 = arith.constant 0 : i32
    return %arg0, %c0_i32, %c0_i32_0 : i32, i32, i32
  }
  func.func @transform_1(%arg0: i32) -> (i32, i32, i32) {
    %c0_i32 = arith.constant 0 : i32
    %c0_i32_0 = arith.constant 0 : i32
    %c0_i32_1 = arith.constant 0 : i32
    return %arg0, %c0_i32, %c0_i32_0 : i32, i32, i32
  }
  func.func @transform_2(%arg0: i32) -> (i32, i32) {
    %c0_i32 = arith.constant 0 : i32
    %c0_i32_0 = arith.constant 0 : i32
    %c0_i32_1 = arith.constant 0 : i32
    return %c0_i32, %c0_i32_0 : i32, i32
  }
  func.func @transform_3(%arg0: i32) -> (i32, i32) {
    %c0_i32 = arith.constant 0 : i32
    %c0_i32_0 = arith.constant 0 : i32
    %c0_i32_1 = arith.constant 0 : i32
    return %c0_i32, %c0_i32_0 : i32, i32
  }
  func.func @transform_4(%arg0: i32) -> (i32, i32) {
    %c0_i32 = arith.constant 0 : i32
    %c0_i32_0 = arith.constant 0 : i32
    %c0_i32_1 = arith.constant 0 : i32
    return %c0_i32, %c0_i32_0 : i32, i32
  }
  func.func @transform_5(%arg0: i32) -> (i32, i32) {
    %c0_i32 = arith.constant 0 : i32
    %c0_i32_0 = arith.constant 0 : i32
    %c0_i32_1 = arith.constant 0 : i32
    return %c0_i32, %c0_i32_0 : i32, i32
  }
  func.func @transform_6(%arg0: i32) -> (i32, i32) {
    %c0_i32 = arith.constant 0 : i32
    %c0_i32_0 = arith.constant 0 : i32
    %c0_i32_1 = arith.constant 0 : i32
    return %c0_i32, %c0_i32_0 : i32, i32
  }
  func.func @transform_7(%arg0: i32) -> (i32, i32) {
    %c0_i32 = arith.constant 0 : i32
    %c0_i32_0 = arith.constant 0 : i32
    %c0_i32_1 = arith.constant 0 : i32
    return %c0_i32, %c0_i32_0 : i32, i32
  }
  func.func @transform_8(%arg0: i32) -> (i32, i32) {
    %c0_i32 = arith.constant 0 : i32
    %c0_i32_0 = arith.constant 0 : i32
    %c0_i32_1 = arith.constant 0 : i32
    return %c0_i32, %c0_i32_0 : i32, i32
  }
}

</mosaic_0001>

<sc_bundles>
// kernel: kernel.5.cloned.1.call-start
scs
__scs_entry_jumppad:
0x0: {  	(pc) =	sbr.rel $0x88, $3  }
0x1: {  	(tag) =	ssettag $0x0;
	lr =	simm.s32 $0x1  }
0x2: {  	[smem:$0x3F98] =	sst lr;
	_ =	strace $0xD0000000  }
0x3: {  	_ = 	snop  }
0x4: {  	_ = 	snop  }
0x5: {  	_ = 	snop  }
0x6: {  	_ = 	snop  }
0x7: {  	_ = 	snop  }
__scs_overlays_trampoline_lowered:
0x8: {  	[smem:$0x3FA7] =	sst s0  }
0x9: {  	[smem:$0x3FA8] =	sst s1  }
0xa: {  	[smem:$0x3FA9] =	sst s2  }
0xb: {  	[smem:$0x3FAA] =	sst s3  }
0xc: {  	[smem:$0x3FAB] =	sst s4  }
0xd: {  	[smem:$0x3FAC] =	sst s5  }
0xe: {  	[smem:$0x3FAD] =	sst s6  }
0xf: {  	[smem:$0x3FAE] =	sst s7  }
0x10: {  	[smem:$0x3FAF] =	sst s8  }
0x11: {  	[smem:$0x3FB0] =	sst s9;
	s0 =	simm.s32 @!p0 $0x0  }
0x12: {  	s1 =	sld [smem:$0x3F96];
	s0 =	simm.s32 @p0 $0x1  }
0x13: {  	[smem:$0x3FB1] =	sst s0;
	s0 =	simm.s32 @!p1 $0x0  }
0x14: {  	s2 =	sld [smem:$0x3F95];
	s0 =	simm.s32 @p1 $0x1  }
0x15: {  	[smem:$0x3FB2] =	sst s0;
	s0 =	simm.s32 @!p2 $0x0  }
0x16: {  	s3 =	sld [smem:$0x3FDB];
	s0 =	simm.s32 @p2 $0x1  }
0x17: {  	s4 =	simm.s32 $0x1BF5;
	[smem:$0x3FB4] =	sst s0  }
0x18: {  	s0 =	sld [smem:$0x3F97];
	_ =	swait.ge [sflag:s4], $0x0  }
0x19: {  	s7 =	sld [smem:$0x3F98]  }
0x1a: {  	s8 =	sadd.s32 $0xFFFFE003, lr  }
0x1b: {  	s9 =	sadd.s32 $0xFFFFFEF7, lr;
	s5 =	simm.s32 $0xFFFFFFFF;
	p2 =	slt.u32 s8, $0xFFFFF086  }
0x1c: {  	p1 =	slt.u32 s9, $0xF7A;
	s5 =	simm.s32 @!p2 $0x0  }
0x1d: {  	s5 =	simm.s32 @p1 $0x1;
	p0 =	seq.s32 s7, s2  }
0x1e: {  	s7 =	smul.u32 @!p0 $0xF7A, s2;
	p2 =	seq.s32 @!p0 s5, $0x0  }
0x1f: {  	s9 =	smul.u32 $0xF7A, s1;
	s8 =	simm.s32 @!p0 $0x1BF5;
	p2 =	por !p2, p0  }
0x20: {  	[sflag:s8] =	ssyncset.s32 @!p0 $0xFFFFF086;
	s6 =	sadd.s32 @!p0 s3, s7;
	s7 =	simm.s32 @!p0 $0x108  }
0x21: {  	s3 =	sadd.s32 s3, s9;
	s6 =	sadd.s32 @!p0 $0x88, s6;
	s7 =	simm.s32 @p2 $0x1082  }
0x22: {  	[simem:s7], [sflag:s8] =	dma.local @!p0 [hbm:s6], $0xF7A  }
0x23: {  	s9 =	sor.u32 $0xD0000000, s2;
	s6 =	simm.s32 $0x108;
	_ =	swait.ge @!p0 [sflag:s8], $0x0  }
0x24: {  	s3 =	sadd.s32 $0x88, s3;
	s6 =	simm.s32 @!p1 $0x1082;
	[sflag:s4] =	ssyncset.s32 $0xFFFFF086  }
0x25: {  	[simem:s6], [sflag:s4] =	dma.local [hbm:s3], $0xF7A  }
0x26: {  	[smem:$0x3F98] =	sst s1;
	(tag) =	ssettag s2;
	_ =	strace s9  }
0x27: {  	s1 =	sld [smem:$0x3FA8]  }
0x28: {  	s2 =	sld [smem:$0x3FA9]  }
0x29: {  	s4 =	sld [smem:$0x3FAB]  }
0x2a: {  	p0 =	seq.s32 s5, $0x0;
	s5 =	sld [smem:$0x3FAC]  }
0x2b: {  	s6 =	sld [smem:$0x3FAD]  }
0x2c: {  	s7 =	sld [smem:$0x3FAE]  }
0x2d: {  	s3 =	simm.s32 $0x108;
	s8 =	sld [smem:$0x3FAF]  }
0x2e: {  	s3 =	simm.s32 @!p0 $0x1082;
	s9 =	sld [smem:$0x3FB0]  }
0x2f: {  	lr =	sadd.s32 s0, s3;
	s0 =	sld [smem:$0x3FA7]  }
0x30: {  	s3 =	sld [smem:$0x3FAA]  }
0x31: {  	[smem:$0x3FB3] =	sst s10  }
0x32: {  	s10 =	sld [smem:$0x3FB1];
	_ =	sdelay $0x3  }
0x33: {  	p0 =	seq.s32 s10, $0x1;
	s10 =	sld [smem:$0x3FB3];
	_ =	sdelay $0x3  }
0x34: {  	[smem:$0x3FB3] =	sst s10  }
0x35: {  	s10 =	sld [smem:$0x3FB2];
	_ =	sdelay $0x3  }
0x36: {  	p1 =	seq.s32 s10, $0x1;
	s10 =	sld [smem:$0x3FB3];
	_ =	sdelay $0x3  }
0x37: {  	[smem:$0x3FB3] =	sst s10  }
0x38: {  	s10 =	sld [smem:$0x3FB4]  }
0x39: {  	_ = 	snop;
	(pc) =	sbr.ind lr, $3  }
0x3a: {  	_ = 	snop  }
0x3b: {  	_ = 	snop  }
0x3c: {  	p2 =	seq.s32 s10, $0x1;
	s10 =	sld [smem:$0x3FB3]  }
0x3d: {  	_ =	shalt  }
0x3e: {  	_ =	shalt  }
0x3f: {  	_ =	shalt  }
0x40: {  	_ =	shalt  }
0x41: {  	_ =	shalt  }
0x42: {  	_ =	shalt  }
0x43: {  	_ =	shalt  }
0x44: {  	_ =	shalt  }
0x45: {  	_ =	shalt  }
0x46: {  	_ =	shalt  }
0x47: {  	_ =	shalt  }
0x48: {  	_ =	shalt  }
0x49: {  	_ =	shalt  }
0x4a: {  	_ =	shalt  }
0x4b: {  	_ =	shalt  }
0x4c: {  	_ =	shalt  }
0x4d: {  	_ =	shalt  }
0x4e: {  	_ =	shalt  }
0x4f: {  	_ =	shalt  }
0x50: {  	_ =	shalt  }
0x51: {  	_ =	shalt  }
0x52: {  	_ =	shalt  }
0x53: {  	_ =	shalt  }
0x54: {  	_ =	shalt  }
0x55: {  	_ =	shalt  }
0x56: {  	_ =	shalt  }
0x57: {  	_ =	shalt  }
0x58: {  	_ =	shalt  }
0x59: {  	_ =	shalt  }
0x5a: {  	_ =	shalt  }
0x5b: {  	_ =	shalt  }
0x5c: {  	_ =	shalt  }
0x5d: {  	_ =	shalt  }
0x5e: {  	_ =	shalt  }
0x5f: {  	_ =	shalt  }
0x60: {  	_ =	shalt  }
0x61: {  	_ =	shalt  }
0x62: {  	_ =	shalt  }
0x63: {  	_ =	shalt  }
0x64: {  	_ =	shalt  }
0x65: {  	_ =	shalt  }
0x66: {  	_ =	shalt  }
0x67: {  	_ =	shalt  }
0x68: {  	_ =	shalt  }
0x69: {  	_ =	shalt  }
0x6a: {  	_ =	shalt  }
0x6b: {  	_ =	shalt  }
0x6c: {  	_ =	shalt  }
0x6d: {  	_ =	shalt  }
0x6e: {  	_ =	shalt  }
0x6f: {  	_ =	shalt  }
0x70: {  	_ =	shalt  }
0x71: {  	_ =	shalt  }
0x72: {  	_ =	shalt  }
0x73: {  	_ =	shalt  }
0x74: {  	_ =	shalt  }
0x75: {  	_ =	shalt  }
0x76: {  	_ =	shalt  }
0x77: {  	_ =	shalt  }
0x78: {  	_ =	shalt  }
0x79: {  	_ =	shalt  }
0x7a: {  	_ =	shalt  }
0x7b: {  	_ =	shalt  }
0x7c: {  	_ =	shalt  }
0x7d: {  	_ =	shalt  }
0x7e: {  	_ =	shalt  }
0x7f: {  	_ =	shalt  }
0x80: {  	_ =	shalt  }
0x81: {  	_ =	shalt  }
0x82: {  	_ =	shalt  }
0x83: {  	_ =	shalt  }
0x84: {  	_ =	shalt  }
0x85: {  	_ =	shalt  }
0x86: {  	_ =	shalt  }
0x87: {  	_ =	shalt  }
.Lfunc_end0:
.L_simem_size_0:
called_computation_lowered:
.L_overlay_start_0:
0x88: {  	s2 =	sld [smem:$0x3FD9]  }
0x89: {  	s3 =	sld [smem:$0x3FFE];
	_ =	sdelay $0x1  }
0x8a: {  	s1 =	srdreg.scid  }
0x8b: {  	s0 =	sand.u32 $0x1, s1  }
0x8c: {  	s14 =	sshll.u32 s0, $0xA;
	s2 =	sadd.s32 s3, s2  }
0x8d: {  	s2 =	sadd.s32 s2, s14  }
0x8e: {  	[smem:$0x3FBF] =	sst s2  }
0x8f: {  	_ = 	snop  }
0x90: {  	s2 =	sld [smem:$0x3FD0];
	_ =	sdelay $0x2  }
0x91: {  	s15 =	simm.s32 $0xA;
	s4 =	simm.s32 $0x10  }
0x92: {  	[smem:s4], [sflag:s15] =	dma.local [hbm:s2], $0x1  }
0x93: {  	_ =	swait.eq [sflag:s15], $0x1  }
0x94: {  	[sflag:s15] =	ssyncset.done $0x0  }
0x95: {  	[sflag:s15] =	ssyncadd.s32 $0xFFFFFFFF  }
0x96: {  	s16 =	sld [smem:$0x11];
	(tm) =	ssettm $0x1  }
0x97: {  	s17 =	sld [smem:$0x3FFB];
	_ =	sdelay $0x3  }
0x98: {  	_ =	strace s17  }
0x99: {  	s3 =	sld [smem:$0x3FFC];
	_ =	sdelay $0x3  }
0x9a: {  	_ =	strace s3  }
0x9b: {  	s3 =	sld [smem:$0x3FFD];
	_ =	sdelay $0x3  }
0x9c: {  	_ =	strace s3  }
0x9d: {  	_ =	strace $0x8FFFFFFF  }
0x9e: {  	s18 =	sld [smem:$0x3FDB];
	_ =	sdelay $0x1  }
0x9f: {  	s19 =	simm.s32 $_scs_section_size  }
0xa0: {  	s5 =	simm.s32 $_size__tile_overlayer_lowered;
	s6 =	simm.s32 $_tile_overlayer_lowered  }
0xa1: {  	s22 =	simm.s32 $0x1BFF;
	s21 =	sshll.u32 s6, $0x1;
	s3 =	sadd.s32 s19, s18  }
0xa2: {  	s7 =	simm.s32 $0x0;
	s20 =	sshll.u32 s5, $0x1;
	s5 =	sadd.s32 s21, s3  }
0xa3: {  	[timem:s7], [sflag:s22] =	dma.local [hbm:s5], s20  }
0xa4: {  	_ =	swait.ge [sflag:s22], s20  }
0xa5: {  	s4 =	ssub.s32 $0x0, s20;
	[sflag:s22] =	ssyncset.done $0x0  }
0xa6: {  	[sflag:s22] =	ssyncadd.s32 s4;
	_ =	sdelay $0x1  }
0xa7: {  	s23 =	simm.s32 $0x1B8B  }
0xa8: {  	_ =	swait.ge [sflag:s23], $0x1  }
0xa9: {  	[sflag:s23] =	ssyncset.done $0x0  }
0xaa: {  	s25 =	simm.s32 $0x1B8E;
	s24 =	sld [smem:$0x3FFE];
	[sflag:s23] =	ssyncadd.s32 $0xFFFFFFFF  }
0xab: {  	s26 =	simm.s32 $execute0_lowered;
	[smem:$0x3FD2] =	sst s25  }
0xac: {  	s5 =	sshll.u32 s26, $0x1;
	_ =	strace $0x80000046;
	[dreg:$0x1] =	wrdreg $0xFFFFFFFF  }
0xad: {  	s28 =	simm.s32 $_size_execute0_lowered;
	s3 =	sadd.s32 s3, s5;
	[dreg:$0x0] =	wrdreg $0x0  }
0xae: {  	s5 =	sshll.u32 s28, $0x1;
	[dreg:$0x2] =	wrdreg s3  }
0xaf: {  	[dreg:$0x3] =	wrdreg s5  }
0xb0: {  	[dreg:$0x4] =	wrdreg $0xC0  }
0xb1: {  	_ =	task [dreg:s7], $0x5FFFF  }
0xb2: {  	[dreg:$0x1] =	wrdreg $0xFFFFFFFF  }
0xb3: {  	[dreg:$0x0] =	wrdreg $0x60  }
0xb4: {  	[dreg:$0x2] =	wrdreg s24  }
0xb5: {  	[dreg:$0x3] =	wrdreg s16  }
0xb6: {  	[dreg:$0x4] =	wrdreg $0x9  }
0xb7: {  	_ =	task.clear_ibuf [dreg:s7], $0x5FFFF;
	_ =	strace $0x90000046  }
0xb8: {  	s29 =	simm.s32 $0x9;
	_ =	strace $0x80000048  }
0xb9: {  	_ =	swait.ge [sflag:s29], $0x1  }
0xba: {  	[sflag:s29] =	ssyncadd.s32 $0xFFFFFFFF  }
0xbb: {  	_ =	strace $0x90000048  }
0xbc: {  	_ =	sfence  }
0xbd: {  	s30 =	sld [smem:$0x0];
	_ =	sdelay $0x2  }
0xbe: {  	s31 =	sshll.u32 s1, $0xD;
	s1 =	sshrl.u32 s1, $0x2  }
0xbf: {  	s3 =	sand.u32 $0x4000, s31;
	s1 =	sadd.s32 s1, s30  }
0xc0: {  	s0 =	sor.u32 s3, s0;
	s1 =	sshll.u32 s1, $0x11  }
0xc1: {  	s0 =	sor.u32 s1, s0  }
0xc2: {  	s0 =	sadd.s32 $0x8F2B, s0  }
0xc3: {  	[sflag:s0] =	ssyncadd.remote.s32 $0x1  }
0xc4: {  	_ =	sfence.sel $0xFFFF  }
0xc5: {  	[dreg:$0x0] =	wrdreg $0xFFFFFFFF;
	(pc) =	sbr.abs _section_cstart, $3  }
0xc6: {  	[dreg:$0x1] =	wrdreg $0xFFFFFFFF  }
0xc7: {  	_ =	task.clear_ibuf [dreg:s7], $0x2FFFF;
	_ =	strace $0x9FFFFFFF  }
0xc8: {  	(tm) =	ssettm $0x7FFFFFFF  }
0xc9: {  	_ =	shalt  }
tec
execute0_lowered:
.L_overlay_start_1:
0x0: {  	(tag) =	ssettag $0x1  }
0x1: {  	v0 =	vlaneseq.u32  }
0x2: {  	v0 =	vmul.u32 $0x80, v0;
	_ =	sdelay $0x1  }
0x3: {  	v1 =	vor.u32 $0x1, v0;
	v5 =	vor.u32 $0x802, v0;
	v6 =	vor.u32 $0x1000, v0  }
0x4: {  	v7 =	vor.u32 $0x1001, v0;
	v8 =	vor.u32 $0x1002, v0;
	v9 =	vor.u32 $0x1800, v0  }
0x5: {  	v10 =	vor.u32 $0x1801, v0;
	v11 =	vor.u32 $0x1802, v0;
	v12 =	vor.u32 $0x2000, v0  }
0x6: {  	v13 =	vor.u32 $0x2001, v0;
	v14 =	vor.u32 $0x2002, v0;
	v15 =	vor.u32 $0x2800, v0  }
0x7: {  	v16 =	vor.u32 $0x2801, v0;
	v17 =	vor.u32 $0x2802, v0;
	v18 =	vor.u32 $0x3000, v0  }
0x8: {  	v19 =	vor.u32 $0x3001, v0;
	v20 =	vor.u32 $0x3002, v0;
	v21 =	vor.u32 $0x3800, v0  }
0x9: {  	v22 =	vor.u32 $0x3801, v0;
	v23 =	vor.u32 $0x3802, v0;
	v24 =	vor.u32 $0x4000, v0  }
0xa: {  	v25 =	vor.u32 $0x4001, v0;
	v26 =	vor.u32 $0x4002, v0;
	v27 =	vor.u32 $0x4800, v0  }
0xb: {  	v28 =	vor.u32 $0x4801, v0;
	v29 =	vor.u32 $0x4802, v0;
	v30 =	vor.u32 $0x5000, v0  }
0xc: {  	v31 =	vor.u32 $0x5001, v0;
	v32 =	vor.u32 $0x5002, v0;
	v33 =	vor.u32 $0x5800, v0  }
0xd: {  	s3 =	rddreg [dreg:$0x0];
	v34 =	vor.u32 $0x5801, v0;
	v35 =	vor.u32 $0x5802, v0;
	v36 =	vor.u32 $0x6000, v0  }
0xe: {  	s4 =	rddreg [dreg:$0x1];
	v37 =	vor.u32 $0x6001, v0;
	v38 =	vor.u32 $0x6002, v0;
	v39 =	vor.u32 $0x6800, v0  }
0xf: {  	s0 =	rddreg [dreg:$0x2];
	v40 =	vor.u32 $0x6801, v0;
	v41 =	vor.u32 $0x6802, v0;
	v42 =	vor.u32 $0x7000, v0  }
0x10: {  	s2 =	simm.s32 $0x0;
	s5 =	srdreg.scid;
	s1 =	stileid.u32;
	v43 =	vor.u32 $0x7001, v0;
	v44 =	vor.u32 $0x7002, v0;
	v45 =	vor.u32 $0x7800, v0  }
0x11: {  	[smem:$0x7FF] =	sst s2;
	s5 =	sand.u32 $0x1, s5;
	s6 =	sshll.u32 s1, $0x1;
	v46 =	vor.u32 $0x7801, v0;
	v47 =	vor.u32 $0x7802, v0;
	v48 =	vor.u32 $0x8000, v0  }
0x12: {  	s7 =	sshrl.u32 s1, $0x1;
	s6 =	sor.u32 s5, s6;
	s5 =	ssub.s32 $0x2, s5;
	v49 =	vor.u32 $0x8001, v0;
	v50 =	vor.u32 $0x8002, v0;
	v51 =	vor.u32 $0x8800, v0  }
0x13: {  	s7 =	smul.u32 $0x300, s7;
	s8 =	sshll.u32 s6, $0x6;
	s6 =	sshll.u32 s6, $0xD;
	v52 =	vor.u32 $0x8801, v0;
	v53 =	vor.u32 $0x8802, v0;
	[tilespmem:$0x1FFC0] =	vst v1;
	v1 =	vor.u32 $0x2, v0  }
0x14: {  	s9 =	sshrl.u32 s5, $0x1;
	v54 =	vor.u32 $0x9000, v0;
	v55 =	vor.u32 $0x9001, v0;
	s8 =	sadd.s32 s8, s3;
	s6 =	sadd.s32 s6, s3;
	[tilespmem:$0x1FFD0] =	vst v1;
	v1 =	vor.u32 $0x800, v0  }
0x15: {  	v56 =	vor.u32 $0x9002, v0;
	v57 =	vor.u32 $0x9800, v0;
	s9 =	ssub.s32 s5, s9;
	s3 =	sadd.s32 s4, s7;
	s7 =	simm.s32 $0x200;
	[tilespmem:$0x1FFE0] =	vst v1;
	v1 =	vor.u32 $0x801, v0  }
0x16: {  	v58 =	vor.u32 $0x9801, v0;
	v59 =	vor.u32 $0x9802, v0;
	v60 =	vor.u32 $0xA000, v0;
	s4 =	sadd.s32 $0x1600, s8;
	s5 =	sadd.s32 $0x1E00, s6;
	s6 =	smax.u32 s9, $0x1;
	[tilespmem:$0x1FFF0] =	vst v1  }
0x17: {  	v61 =	vor.u32 $0xA001, v0;
	v62 =	vor.u32 $0xA002, v0;
	v63 =	vor.u32 $0xA800, v0;
	s8 =	simm.s32 $0x1;
	s9 =	simm.s32 $0x1A00;
	_ =	strace $0x80000047  }
.LBB2_1:
0x18: {  	[tilespmem:s7], [sflag:$0x1] =	stream.linear.gather [hbm4b:s3+s2], $0x1800, $0x38;
	[tilespmem:$0x11A00] =	vst v63  }
0x19: {  	_ =	swait.ge [sflag:s8], $0x1800  }
0x1a: {  	[sflag:s8] =	ssyncset.done $0x0  }
0x1b: {  	[sflag:s8] =	ssyncadd.s32 $0xFFFFE800  }
0x1c: {  	[tilespmem:s2], [sflag:$0x1] =	stream.linear.gather [hbm4b:s4+s2], $0x200, $0x38;
	[tilespmem:$0x11A00] =	vst v63  }
0x1d: {  	_ =	swait.ge [sflag:s8], $0x200  }
0x1e: {  	[sflag:s8] =	ssyncset.done $0x0  }
0x1f: {  	[sflag:s8] =	ssyncadd.s32 $0xFFFFFE00  }
0x20: {  	v1 =	vld [tilespmem:$0x0];
	_ =	sdelay $0x7  }
0x21: {  	v2 =	vld.idx.msk [tilespmem:v1+s7+$0x0], $0xffff  }
0x22: {  	v3 =	vadd.s32 $0x800, v1;
	_ =	sdelay $0x3  }
0x23: {  	[tilespmem:v0+s9+$0x0] =	vst.idx.msk $0xffff, v2  }
0x24: {  	v2 =	vld.idx.msk [tilespmem:v3+s7+$0x0], $0xffff  }
0x25: {  	v3 =	vld [tilespmem:$0x1FFC0];
	_ =	sdelay $0x5  }
0x26: {  	v1 =	vadd.s32 $0x1000, v1;
	_ =	sdelay $0x1  }
0x27: {  	[tilespmem:v3+s9+$0x0] =	vst.idx.msk $0xffff, v2;
	v2 =	vld [tilespmem:$0x1FFD0];
	_ =	sdelay $0x2  }
0x28: {  	v1 =	vld.idx.msk [tilespmem:v1+s7+$0x0], $0xffff;
	_ =	sdelay $0x4  }
0x29: {  	[tilespmem:v2+s9+$0x0] =	vst.idx.msk $0xffff, v1  }
0x2a: {  	v1 =	vld [tilespmem:$0x10];
	_ =	sdelay $0x4  }
0x2b: {  	v4 =	vld [tilespmem:$0x1FFE0];
	_ =	sdelay $0x2  }
0x2c: {  	v2 =	vld.idx.msk [tilespmem:v1+s7+$0x0], $0xffff  }
0x2d: {  	v3 =	vadd.s32 $0x800, v1;
	_ =	sdelay $0x3  }
0x2e: {  	[tilespmem:v4+s9+$0x0] =	vst.idx.msk $0xffff, v2  }
0x2f: {  	v2 =	vld.idx.msk [tilespmem:v3+s7+$0x0], $0xffff  }
0x30: {  	v3 =	vld [tilespmem:$0x1FFF0];
	_ =	sdelay $0x3  }
0x31: {  	v1 =	vadd.s32 $0x1000, v1;
	_ =	sdelay $0x3  }
0x32: {  	[tilespmem:v3+s9+$0x0] =	vst.idx.msk $0xffff, v2  }
0x33: {  	v1 =	vld.idx.msk [tilespmem:v1+s7+$0x0], $0xffff;
	_ =	sdelay $0x4  }
0x34: {  	[tilespmem:v5+s9+$0x0] =	vst.idx.msk $0xffff, v1  }
0x35: {  	v1 =	vld [tilespmem:$0x20];
	_ =	sdelay $0x7  }
0x36: {  	v2 =	vld.idx.msk [tilespmem:v1+s7+$0x0], $0xffff  }
0x37: {  	v3 =	vadd.s32 $0x800, v1;
	_ =	sdelay $0x3  }
0x38: {  	[tilespmem:v6+s9+$0x0] =	vst.idx.msk $0xffff, v2  }
0x39: {  	v2 =	vld.idx.msk [tilespmem:v3+s7+$0x0], $0xffff  }
0x3a: {  	v1 =	vadd.s32 $0x1000, v1;
	_ =	sdelay $0x3  }
0x3b: {  	[tilespmem:v7+s9+$0x0] =	vst.idx.msk $0xffff, v2  }
0x3c: {  	v1 =	vld.idx.msk [tilespmem:v1+s7+$0x0], $0xffff;
	_ =	sdelay $0x4  }
0x3d: {  	[tilespmem:v8+s9+$0x0] =	vst.idx.msk $0xffff, v1  }
0x3e: {  	v1 =	vld [tilespmem:$0x30];
	_ =	sdelay $0x7  }
0x3f: {  	v2 =	vld.idx.msk [tilespmem:v1+s7+$0x0], $0xffff  }
0x40: {  	v3 =	vadd.s32 $0x800, v1;
	_ =	sdelay $0x3  }
0x41: {  	[tilespmem:v9+s9+$0x0] =	vst.idx.msk $0xffff, v2  }
0x42: {  	v2 =	vld.idx.msk [tilespmem:v3+s7+$0x0], $0xffff  }
0x43: {  	v1 =	vadd.s32 $0x1000, v1;
	_ =	sdelay $0x3  }
0x44: {  	[tilespmem:v10+s9+$0x0] =	vst.idx.msk $0xffff, v2  }
0x45: {  	v1 =	vld.idx.msk [tilespmem:v1+s7+$0x0], $0xffff;
	_ =	sdelay $0x4  }
0x46: {  	[tilespmem:v11+s9+$0x0] =	vst.idx.msk $0xffff, v1  }
0x47: {  	v1 =	vld [tilespmem:$0x40];
	_ =	sdelay $0x7  }
0x48: {  	v2 =	vld.idx.msk [tilespmem:v1+s7+$0x0], $0xffff  }
0x49: {  	v3 =	vadd.s32 $0x800, v1;
	_ =	sdelay $0x3  }
0x4a: {  	[tilespmem:v12+s9+$0x0] =	vst.idx.msk $0xffff, v2  }
0x4b: {  	v2 =	vld.idx.msk [tilespmem:v3+s7+$0x0], $0xffff  }
0x4c: {  	v1 =	vadd.s32 $0x1000, v1;
	_ =	sdelay $0x3  }
0x4d: {  	[tilespmem:v13+s9+$0x0] =	vst.idx.msk $0xffff, v2  }
0x4e: {  	v1 =	vld.idx.msk [tilespmem:v1+s7+$0x0], $0xffff;
	_ =	sdelay $0x4  }
0x4f: {  	[tilespmem:v14+s9+$0x0] =	vst.idx.msk $0xffff, v1  }
0x50: {  	v1 =	vld [tilespmem:$0x50];
	_ =	sdelay $0x7  }
0x51: {  	v2 =	vld.idx.msk [tilespmem:v1+s7+$0x0], $0xffff  }
0x52: {  	v3 =	vadd.s32 $0x800, v1;
	_ =	sdelay $0x3  }
0x53: {  	[tilespmem:v15+s9+$0x0] =	vst.idx.msk $0xffff, v2  }
0x54: {  	v2 =	vld.idx.msk [tilespmem:v3+s7+$0x0], $0xffff  }
0x55: {  	v1 =	vadd.s32 $0x1000, v1;
	_ =	sdelay $0x3  }
0x56: {  	[tilespmem:v16+s9+$0x0] =	vst.idx.msk $0xffff, v2  }
0x57: {  	v1 =	vld.idx.msk [tilespmem:v1+s7+$0x0], $0xffff;
	_ =	sdelay $0x4  }
0x58: {  	[tilespmem:v17+s9+$0x0] =	vst.idx.msk $0xffff, v1  }
0x59: {  	v1 =	vld [tilespmem:$0x60];
	_ =	sdelay $0x7  }
0x5a: {  	v2 =	vld.idx.msk [tilespmem:v1+s7+$0x0], $0xffff  }
0x5b: {  	v3 =	vadd.s32 $0x800, v1;
	_ =	sdelay $0x3  }
0x5c: {  	[tilespmem:v18+s9+$0x0] =	vst.idx.msk $0xffff, v2  }
0x5d: {  	v2 =	vld.idx.msk [tilespmem:v3+s7+$0x0], $0xffff  }
0x5e: {  	v1 =	vadd.s32 $0x1000, v1;
	_ =	sdelay $0x3  }
0x5f: {  	[tilespmem:v19+s9+$0x0] =	vst.idx.msk $0xffff, v2  }
0x60: {  	v1 =	vld.idx.msk [tilespmem:v1+s7+$0x0], $0xffff;
	_ =	sdelay $0x4  }
0x61: {  	[tilespmem:v20+s9+$0x0] =	vst.idx.msk $0xffff, v1  }
0x62: {  	v1 =	vld [tilespmem:$0x70];
	_ =	sdelay $0x7  }
0x63: {  	v2 =	vld.idx.msk [tilespmem:v1+s7+$0x0], $0xffff  }
0x64: {  	v3 =	vadd.s32 $0x800, v1;
	_ =	sdelay $0x3  }
0x65: {  	[tilespmem:v21+s9+$0x0] =	vst.idx.msk $0xffff, v2  }
0x66: {  	v2 =	vld.idx.msk [tilespmem:v3+s7+$0x0], $0xffff  }
0x67: {  	v1 =	vadd.s32 $0x1000, v1;
	_ =	sdelay $0x3  }
0x68: {  	[tilespmem:v22+s9+$0x0] =	vst.idx.msk $0xffff, v2  }
0x69: {  	v1 =	vld.idx.msk [tilespmem:v1+s7+$0x0], $0xffff;
	_ =	sdelay $0x4  }
0x6a: {  	[tilespmem:v23+s9+$0x0] =	vst.idx.msk $0xffff, v1  }
0x6b: {  	v1 =	vld [tilespmem:$0x80];
	_ =	sdelay $0x7  }
0x6c: {  	v2 =	vld.idx.msk [tilespmem:v1+s7+$0x0], $0xffff  }
0x6d: {  	v3 =	vadd.s32 $0x800, v1;
	_ =	sdelay $0x3  }
0x6e: {  	[tilespmem:v24+s9+$0x0] =	vst.idx.msk $0xffff, v2  }
0x6f: {  	v2 =	vld.idx.msk [tilespmem:v3+s7+$0x0], $0xffff  }
0x70: {  	v1 =	vadd.s32 $0x1000, v1;
	_ =	sdelay $0x3  }
0x71: {  	[tilespmem:v25+s9+$0x0] =	vst.idx.msk $0xffff, v2  }
0x72: {  	v1 =	vld.idx.msk [tilespmem:v1+s7+$0x0], $0xffff;
	_ =	sdelay $0x4  }
0x73: {  	[tilespmem:v26+s9+$0x0] =	vst.idx.msk $0xffff, v1  }
0x74: {  	v1 =	vld [tilespmem:$0x90];
	_ =	sdelay $0x7  }
0x75: {  	v2 =	vld.idx.msk [tilespmem:v1+s7+$0x0], $0xffff  }
0x76: {  	v3 =	vadd.s32 $0x800, v1;
	_ =	sdelay $0x3  }
0x77: {  	[tilespmem:v27+s9+$0x0] =	vst.idx.msk $0xffff, v2  }
0x78: {  	v2 =	vld.idx.msk [tilespmem:v3+s7+$0x0], $0xffff  }
0x79: {  	v1 =	vadd.s32 $0x1000, v1;
	_ =	sdelay $0x3  }
0x7a: {  	[tilespmem:v28+s9+$0x0] =	vst.idx.msk $0xffff, v2  }
0x7b: {  	v1 =	vld.idx.msk [tilespmem:v1+s7+$0x0], $0xffff;
	_ =	sdelay $0x4  }
0x7c: {  	[tilespmem:v29+s9+$0x0] =	vst.idx.msk $0xffff, v1  }
0x7d: {  	v1 =	vld [tilespmem:$0xA0];
	_ =	sdelay $0x7  }
0x7e: {  	v2 =	vld.idx.msk [tilespmem:v1+s7+$0x0], $0xffff  }
0x7f: {  	v3 =	vadd.s32 $0x800, v1;
	_ =	sdelay $0x3  }
0x80: {  	[tilespmem:v30+s9+$0x0] =	vst.idx.msk $0xffff, v2  }
0x81: {  	v2 =	vld.idx.msk [tilespmem:v3+s7+$0x0], $0xffff  }
0x82: {  	v1 =	vadd.s32 $0x1000, v1;
	_ =	sdelay $0x3  }
0x83: {  	[tilespmem:v31+s9+$0x0] =	vst.idx.msk $0xffff, v2  }
0x84: {  	v1 =	vld.idx.msk [tilespmem:v1+s7+$0x0], $0xffff;
	_ =	sdelay $0x4  }
0x85: {  	[tilespmem:v32+s9+$0x0] =	vst.idx.msk $0xffff, v1  }
0x86: {  	v1 =	vld [tilespmem:$0xB0];
	_ =	sdelay $0x7  }
0x87: {  	v2 =	vld.idx.msk [tilespmem:v1+s7+$0x0], $0xffff  }
0x88: {  	v3 =	vadd.s32 $0x800, v1;
	_ =	sdelay $0x3  }
0x89: {  	[tilespmem:v33+s9+$0x0] =	vst.idx.msk $0xffff, v2  }
0x8a: {  	v2 =	vld.idx.msk [tilespmem:v3+s7+$0x0], $0xffff  }
0x8b: {  	v1 =	vadd.s32 $0x1000, v1;
	_ =	sdelay $0x3  }
0x8c: {  	[tilespmem:v34+s9+$0x0] =	vst.idx.msk $0xffff, v2  }
0x8d: {  	v1 =	vld.idx.msk [tilespmem:v1+s7+$0x0], $0xffff;
	_ =	sdelay $0x4  }
0x8e: {  	[tilespmem:v35+s9+$0x0] =	vst.idx.msk $0xffff, v1  }
0x8f: {  	v1 =	vld [tilespmem:$0xC0];
	_ =	sdelay $0x7  }
0x90: {  	v2 =	vld.idx.msk [tilespmem:v1+s7+$0x0], $0xffff  }
0x91: {  	v3 =	vadd.s32 $0x800, v1;
	_ =	sdelay $0x3  }
0x92: {  	[tilespmem:v36+s9+$0x0] =	vst.idx.msk $0xffff, v2  }
0x93: {  	v2 =	vld.idx.msk [tilespmem:v3+s7+$0x0], $0xffff  }
0x94: {  	v1 =	vadd.s32 $0x1000, v1;
	_ =	sdelay $0x3  }
0x95: {  	[tilespmem:v37+s9+$0x0] =	vst.idx.msk $0xffff, v2  }
0x96: {  	v1 =	vld.idx.msk [tilespmem:v1+s7+$0x0], $0xffff;
	_ =	sdelay $0x4  }
0x97: {  	[tilespmem:v38+s9+$0x0] =	vst.idx.msk $0xffff, v1  }
0x98: {  	v1 =	vld [tilespmem:$0xD0];
	_ =	sdelay $0x7  }
0x99: {  	v2 =	vld.idx.msk [tilespmem:v1+s7+$0x0], $0xffff  }
0x9a: {  	v3 =	vadd.s32 $0x800, v1;
	_ =	sdelay $0x3  }
0x9b: {  	[tilespmem:v39+s9+$0x0] =	vst.idx.msk $0xffff, v2  }
0x9c: {  	v2 =	vld.idx.msk [tilespmem:v3+s7+$0x0], $0xffff  }
0x9d: {  	v1 =	vadd.s32 $0x1000, v1;
	_ =	sdelay $0x3  }
0x9e: {  	[tilespmem:v40+s9+$0x0] =	vst.idx.msk $0xffff, v2  }
0x9f: {  	v1 =	vld.idx.msk [tilespmem:v1+s7+$0x0], $0xffff;
	_ =	sdelay $0x4  }
0xa0: {  	[tilespmem:v41+s9+$0x0] =	vst.idx.msk $0xffff, v1  }
0xa1: {  	v1 =	vld [tilespmem:$0xE0];
	_ =	sdelay $0x7  }
0xa2: {  	v2 =	vld.idx.msk [tilespmem:v1+s7+$0x0], $0xffff  }
0xa3: {  	v3 =	vadd.s32 $0x800, v1;
	_ =	sdelay $0x3  }
0xa4: {  	[tilespmem:v42+s9+$0x0] =	vst.idx.msk $0xffff, v2  }
0xa5: {  	v2 =	vld.idx.msk [tilespmem:v3+s7+$0x0], $0xffff  }
0xa6: {  	v1 =	vadd.s32 $0x1000, v1;
	_ =	sdelay $0x3  }
0xa7: {  	[tilespmem:v43+s9+$0x0] =	vst.idx.msk $0xffff, v2  }
0xa8: {  	v1 =	vld.idx.msk [tilespmem:v1+s7+$0x0], $0xffff;
	_ =	sdelay $0x4  }
0xa9: {  	[tilespmem:v44+s9+$0x0] =	vst.idx.msk $0xffff, v1  }
0xaa: {  	v1 =	vld [tilespmem:$0xF0];
	_ =	sdelay $0x7  }
0xab: {  	v2 =	vld.idx.msk [tilespmem:v1+s7+$0x0], $0xffff  }
0xac: {  	v3 =	vadd.s32 $0x800, v1;
	_ =	sdelay $0x3  }
0xad: {  	[tilespmem:v45+s9+$0x0] =	vst.idx.msk $0xffff, v2  }
0xae: {  	v2 =	vld.idx.msk [tilespmem:v3+s7+$0x0], $0xffff  }
0xaf: {  	v1 =	vadd.s32 $0x1000, v1;
	_ =	sdelay $0x3  }
0xb0: {  	[tilespmem:v46+s9+$0x0] =	vst.idx.msk $0xffff, v2  }
0xb1: {  	v1 =	vld.idx.msk [tilespmem:v1+s7+$0x0], $0xffff;
	_ =	sdelay $0x4  }
0xb2: {  	[tilespmem:v47+s9+$0x0] =	vst.idx.msk $0xffff, v1  }
0xb3: {  	v1 =	vld [tilespmem:$0x100];
	_ =	sdelay $0x7  }
0xb4: {  	v2 =	vld.idx.msk [tilespmem:v1+s7+$0x0], $0xffff  }
0xb5: {  	v3 =	vadd.s32 $0x800, v1;
	_ =	sdelay $0x3  }
0xb6: {  	[tilespmem:v48+s9+$0x0] =	vst.idx.msk $0xffff, v2  }
0xb7: {  	v2 =	vld.idx.msk [tilespmem:v3+s7+$0x0], $0xffff  }
0xb8: {  	v1 =	vadd.s32 $0x1000, v1;
	_ =	sdelay $0x3  }
0xb9: {  	[tilespmem:v49+s9+$0x0] =	vst.idx.msk $0xffff, v2  }
0xba: {  	v1 =	vld.idx.msk [tilespmem:v1+s7+$0x0], $0xffff;
	_ =	sdelay $0x4  }
0xbb: {  	[tilespmem:v50+s9+$0x0] =	vst.idx.msk $0xffff, v1  }
0xbc: {  	v1 =	vld [tilespmem:$0x110];
	_ =	sdelay $0x7  }
0xbd: {  	v2 =	vld.idx.msk [tilespmem:v1+s7+$0x0], $0xffff  }
0xbe: {  	v3 =	vadd.s32 $0x800, v1;
	_ =	sdelay $0x3  }
0xbf: {  	[tilespmem:v51+s9+$0x0] =	vst.idx.msk $0xffff, v2  }
0xc0: {  	v2 =	vld.idx.msk [tilespmem:v3+s7+$0x0], $0xffff  }
0xc1: {  	v1 =	vadd.s32 $0x1000, v1;
	_ =	sdelay $0x3  }
0xc2: {  	[tilespmem:v52+s9+$0x0] =	vst.idx.msk $0xffff, v2  }
0xc3: {  	v1 =	vld.idx.msk [tilespmem:v1+s7+$0x0], $0xffff;
	_ =	sdelay $0x4  }
0xc4: {  	[tilespmem:v53+s9+$0x0] =	vst.idx.msk $0xffff, v1  }
0xc5: {  	v1 =	vld [tilespmem:$0x120];
	_ =	sdelay $0x7  }
0xc6: {  	v2 =	vld.idx.msk [tilespmem:v1+s7+$0x0], $0xffff  }
0xc7: {  	v3 =	vadd.s32 $0x800, v1;
	_ =	sdelay $0x3  }
0xc8: {  	[tilespmem:v54+s9+$0x0] =	vst.idx.msk $0xffff, v2  }
0xc9: {  	v2 =	vld.idx.msk [tilespmem:v3+s7+$0x0], $0xffff  }
0xca: {  	v1 =	vadd.s32 $0x1000, v1;
	_ =	sdelay $0x3  }
0xcb: {  	[tilespmem:v55+s9+$0x0] =	vst.idx.msk $0xffff, v2  }
0xcc: {  	v1 =	vld.idx.msk [tilespmem:v1+s7+$0x0], $0xffff;
	_ =	sdelay $0x4  }
0xcd: {  	[tilespmem:v56+s9+$0x0] =	vst.idx.msk $0xffff, v1  }
0xce: {  	v1 =	vld [tilespmem:$0x130];
	_ =	sdelay $0x7  }
0xcf: {  	v2 =	vld.idx.msk [tilespmem:v1+s7+$0x0], $0xffff  }
0xd0: {  	v3 =	vadd.s32 $0x800, v1;
	_ =	sdelay $0x3  }
0xd1: {  	[tilespmem:v57+s9+$0x0] =	vst.idx.msk $0xffff, v2  }
0xd2: {  	v2 =	vld.idx.msk [tilespmem:v3+s7+$0x0], $0xffff  }
0xd3: {  	v1 =	vadd.s32 $0x1000, v1;
	_ =	sdelay $0x3  }
0xd4: {  	[tilespmem:v58+s9+$0x0] =	vst.idx.msk $0xffff, v2  }
0xd5: {  	v1 =	vld.idx.msk [tilespmem:v1+s7+$0x0], $0xffff;
	_ =	sdelay $0x4  }
0xd6: {  	[tilespmem:v59+s9+$0x0] =	vst.idx.msk $0xffff, v1  }
0xd7: {  	v1 =	vld [tilespmem:$0x140];
	_ =	sdelay $0x7  }
0xd8: {  	v2 =	vld.idx.msk [tilespmem:v1+s7+$0x0], $0xffff  }
0xd9: {  	v3 =	vadd.s32 $0x800, v1;
	_ =	sdelay $0x3  }
0xda: {  	[tilespmem:v60+s9+$0x0] =	vst.idx.msk $0xffff, v2  }
0xdb: {  	v2 =	vld.idx.msk [tilespmem:v3+s7+$0x0], $0xffff  }
0xdc: {  	v1 =	vadd.s32 $0x1000, v1;
	_ =	sdelay $0x3  }
0xdd: {  	[tilespmem:v61+s9+$0x0] =	vst.idx.msk $0xffff, v2  }
0xde: {  	v1 =	vld.idx.msk [tilespmem:v1+s7+$0x0], $0xffff;
	_ =	sdelay $0x4  }
0xdf: {  	[tilespmem:v62+s9+$0x0] =	vst.idx.msk $0xffff, v1  }
0xe0: {  	v1 =	vld [tilespmem:$0x150];
	_ =	sdelay $0x7  }
0xe1: {  	v2 =	vld.idx.msk [tilespmem:v1+s7+$0x0], $0xffff  }
0xe2: {  	v3 =	vadd.s32 $0x800, v1;
	_ =	sdelay $0x3  }
0xe3: {  	[tilespmem:v63+s9+$0x0] =	vst.idx.msk $0xffff, v2  }
0xe4: {  	v2 =	vld.idx.msk [tilespmem:v3+s7+$0x0], $0xffff;
	v3 =	vor.u32 $0xA801, v0  }
0xe5: {  	v1 =	vadd.s32 $0x1000, v1;
	_ =	sdelay $0x3  }
0xe6: {  	[tilespmem:v3+s9+$0x0] =	vst.idx.msk $0xffff, v2  }
0xe7: {  	v2 =	vor.u32 $0xA802, v0;
	v1 =	vld.idx.msk [tilespmem:v1+s7+$0x0], $0xffff;
	_ =	sdelay $0x4  }
0xe8: {  	[tilespmem:v2+s9+$0x0] =	vst.idx.msk $0xffff, v1  }
0xe9: {  	v1 =	vld [tilespmem:$0x160];
	_ =	sdelay $0x7  }
0xea: {  	v3 =	vor.u32 $0xB000, v0;
	v2 =	vld.idx.msk [tilespmem:v1+s7+$0x0], $0xffff  }
0xeb: {  	v4 =	vadd.s32 $0x800, v1;
	_ =	sdelay $0x3  }
0xec: {  	[tilespmem:v3+s9+$0x0] =	vst.idx.msk $0xffff, v2  }
0xed: {  	v3 =	vor.u32 $0xB001, v0;
	v2 =	vld.idx.msk [tilespmem:v4+s7+$0x0], $0xffff  }
0xee: {  	v1 =	vadd.s32 $0x1000, v1;
	_ =	sdelay $0x3  }
0xef: {  	[tilespmem:v3+s9+$0x0] =	vst.idx.msk $0xffff, v2  }
0xf0: {  	v2 =	vor.u32 $0xB002, v0;
	v1 =	vld.idx.msk [tilespmem:v1+s7+$0x0], $0xffff;
	_ =	sdelay $0x4  }
0xf1: {  	[tilespmem:v2+s9+$0x0] =	vst.idx.msk $0xffff, v1  }
0xf2: {  	v1 =	vld [tilespmem:$0x170];
	_ =	sdelay $0x7  }
0xf3: {  	v3 =	vor.u32 $0xB800, v0;
	v2 =	vld.idx.msk [tilespmem:v1+s7+$0x0], $0xffff  }
0xf4: {  	v4 =	vadd.s32 $0x800, v1;
	_ =	sdelay $0x3  }
0xf5: {  	[tilespmem:v3+s9+$0x0] =	vst.idx.msk $0xffff, v2  }
0xf6: {  	v3 =	vor.u32 $0xB801, v0;
	v2 =	vld.idx.msk [tilespmem:v4+s7+$0x0], $0xffff  }
0xf7: {  	v1 =	vadd.s32 $0x1000, v1;
	_ =	sdelay $0x3  }
0xf8: {  	[tilespmem:v3+s9+$0x0] =	vst.idx.msk $0xffff, v2  }
0xf9: {  	v2 =	vor.u32 $0xB802, v0;
	v1 =	vld.idx.msk [tilespmem:v1+s7+$0x0], $0xffff;
	_ =	sdelay $0x4  }
0xfa: {  	[tilespmem:v2+s9+$0x0] =	vst.idx.msk $0xffff, v1  }
0xfb: {  	v1 =	vld [tilespmem:$0x180];
	_ =	sdelay $0x7  }
0xfc: {  	v3 =	vor.u32 $0xC000, v0;
	v2 =	vld.idx.msk [tilespmem:v1+s7+$0x0], $0xffff  }
0xfd: {  	v4 =	vadd.s32 $0x800, v1;
	_ =	sdelay $0x3  }
0xfe: {  	[tilespmem:v3+s9+$0x0] =	vst.idx.msk $0xffff, v2  }
0xff: {  	v3 =	vor.u32 $0xC001, v0;
	v2 =	vld.idx.msk [tilespmem:v4+s7+$0x0], $0xffff  }
0x100: {  	v1 =	vadd.s32 $0x1000, v1;
	_ =	sdelay $0x3  }
0x101: {  	[tilespmem:v3+s9+$0x0] =	vst.idx.msk $0xffff, v2  }
0x102: {  	v2 =	vor.u32 $0xC002, v0;
	v1 =	vld.idx.msk [tilespmem:v1+s7+$0x0], $0xffff;
	_ =	sdelay $0x4  }
0x103: {  	[tilespmem:v2+s9+$0x0] =	vst.idx.msk $0xffff, v1  }
0x104: {  	v1 =	vld [tilespmem:$0x190];
	_ =	sdelay $0x7  }
0x105: {  	v3 =	vor.u32 $0xC800, v0;
	v2 =	vld.idx.msk [tilespmem:v1+s7+$0x0], $0xffff  }
0x106: {  	v4 =	vadd.s32 $0x800, v1;
	_ =	sdelay $0x3  }
0x107: {  	[tilespmem:v3+s9+$0x0] =	vst.idx.msk $0xffff, v2  }
0x108: {  	v3 =	vor.u32 $0xC801, v0;
	v2 =	vld.idx.msk [tilespmem:v4+s7+$0x0], $0xffff  }
0x109: {  	v1 =	vadd.s32 $0x1000, v1;
	_ =	sdelay $0x3  }
0x10a: {  	[tilespmem:v3+s9+$0x0] =	vst.idx.msk $0xffff, v2  }
0x10b: {  	v2 =	vor.u32 $0xC802, v0;
	v1 =	vld.idx.msk [tilespmem:v1+s7+$0x0], $0xffff;
	_ =	sdelay $0x4  }
0x10c: {  	[tilespmem:v2+s9+$0x0] =	vst.idx.msk $0xffff, v1  }
0x10d: {  	v1 =	vld [tilespmem:$0x1A0];
	_ =	sdelay $0x7  }
0x10e: {  	v3 =	vor.u32 $0xD000, v0;
	v2 =	vld.idx.msk [tilespmem:v1+s7+$0x0], $0xffff  }
0x10f: {  	v4 =	vadd.s32 $0x800, v1;
	_ =	sdelay $0x3  }
0x110: {  	[tilespmem:v3+s9+$0x0] =	vst.idx.msk $0xffff, v2  }
0x111: {  	v3 =	vor.u32 $0xD001, v0;
	v2 =	vld.idx.msk [tilespmem:v4+s7+$0x0], $0xffff  }
0x112: {  	v1 =	vadd.s32 $0x1000, v1;
	_ =	sdelay $0x3  }
0x113: {  	[tilespmem:v3+s9+$0x0] =	vst.idx.msk $0xffff, v2  }
0x114: {  	v2 =	vor.u32 $0xD002, v0;
	v1 =	vld.idx.msk [tilespmem:v1+s7+$0x0], $0xffff;
	_ =	sdelay $0x4  }
0x115: {  	[tilespmem:v2+s9+$0x0] =	vst.idx.msk $0xffff, v1  }
0x116: {  	v1 =	vld [tilespmem:$0x1B0];
	_ =	sdelay $0x7  }
0x117: {  	v3 =	vor.u32 $0xD800, v0;
	v2 =	vld.idx.msk [tilespmem:v1+s7+$0x0], $0xffff  }
0x118: {  	v4 =	vadd.s32 $0x800, v1;
	_ =	sdelay $0x3  }
0x119: {  	[tilespmem:v3+s9+$0x0] =	vst.idx.msk $0xffff, v2  }
0x11a: {  	v3 =	vor.u32 $0xD801, v0;
	v2 =	vld.idx.msk [tilespmem:v4+s7+$0x0], $0xffff  }
0x11b: {  	v1 =	vadd.s32 $0x1000, v1;
	_ =	sdelay $0x3  }
0x11c: {  	[tilespmem:v3+s9+$0x0] =	vst.idx.msk $0xffff, v2  }
0x11d: {  	v2 =	vor.u32 $0xD802, v0;
	v1 =	vld.idx.msk [tilespmem:v1+s7+$0x0], $0xffff;
	_ =	sdelay $0x4  }
0x11e: {  	[tilespmem:v2+s9+$0x0] =	vst.idx.msk $0xffff, v1  }
0x11f: {  	v1 =	vld [tilespmem:$0x1C0];
	_ =	sdelay $0x7  }
0x120: {  	v3 =	vor.u32 $0xE000, v0;
	v2 =	vld.idx.msk [tilespmem:v1+s7+$0x0], $0xffff  }
0x121: {  	v4 =	vadd.s32 $0x800, v1;
	_ =	sdelay $0x3  }
0x122: {  	[tilespmem:v3+s9+$0x0] =	vst.idx.msk $0xffff, v2  }
0x123: {  	v3 =	vor.u32 $0xE001, v0;
	v2 =	vld.idx.msk [tilespmem:v4+s7+$0x0], $0xffff  }
0x124: {  	v1 =	vadd.s32 $0x1000, v1;
	_ =	sdelay $0x3  }
0x125: {  	[tilespmem:v3+s9+$0x0] =	vst.idx.msk $0xffff, v2  }
0x126: {  	v2 =	vor.u32 $0xE002, v0;
	v1 =	vld.idx.msk [tilespmem:v1+s7+$0x0], $0xffff;
	_ =	sdelay $0x4  }
0x127: {  	[tilespmem:v2+s9+$0x0] =	vst.idx.msk $0xffff, v1  }
0x128: {  	v1 =	vld [tilespmem:$0x1D0];
	_ =	sdelay $0x7  }
0x129: {  	v3 =	vor.u32 $0xE800, v0;
	v2 =	vld.idx.msk [tilespmem:v1+s7+$0x0], $0xffff  }
0x12a: {  	v4 =	vadd.s32 $0x800, v1;
	_ =	sdelay $0x3  }
0x12b: {  	[tilespmem:v3+s9+$0x0] =	vst.idx.msk $0xffff, v2  }
0x12c: {  	v3 =	vor.u32 $0xE801, v0;
	v2 =	vld.idx.msk [tilespmem:v4+s7+$0x0], $0xffff  }
0x12d: {  	v1 =	vadd.s32 $0x1000, v1;
	_ =	sdelay $0x3  }
0x12e: {  	[tilespmem:v3+s9+$0x0] =	vst.idx.msk $0xffff, v2  }
0x12f: {  	v2 =	vor.u32 $0xE802, v0;
	v1 =	vld.idx.msk [tilespmem:v1+s7+$0x0], $0xffff;
	_ =	sdelay $0x4  }
0x130: {  	[tilespmem:v2+s9+$0x0] =	vst.idx.msk $0xffff, v1  }
0x131: {  	v1 =	vld [tilespmem:$0x1E0];
	_ =	sdelay $0x7  }
0x132: {  	v3 =	vor.u32 $0xF000, v0;
	v2 =	vld.idx.msk [tilespmem:v1+s7+$0x0], $0xffff  }
0x133: {  	v4 =	vadd.s32 $0x800, v1;
	_ =	sdelay $0x3  }
0x134: {  	[tilespmem:v3+s9+$0x0] =	vst.idx.msk $0xffff, v2  }
0x135: {  	v3 =	vor.u32 $0xF001, v0;
	v2 =	vld.idx.msk [tilespmem:v4+s7+$0x0], $0xffff  }
0x136: {  	v1 =	vadd.s32 $0x1000, v1;
	_ =	sdelay $0x3  }
0x137: {  	[tilespmem:v3+s9+$0x0] =	vst.idx.msk $0xffff, v2  }
0x138: {  	v2 =	vor.u32 $0xF002, v0;
	v1 =	vld.idx.msk [tilespmem:v1+s7+$0x0], $0xffff;
	_ =	sdelay $0x4  }
0x139: {  	[tilespmem:v2+s9+$0x0] =	vst.idx.msk $0xffff, v1  }
0x13a: {  	v1 =	vld [tilespmem:$0x1F0];
	_ =	sdelay $0x7  }
0x13b: {  	v3 =	vor.u32 $0xF800, v0;
	v2 =	vld.idx.msk [tilespmem:v1+s7+$0x0], $0xffff  }
0x13c: {  	v4 =	vadd.s32 $0x800, v1;
	_ =	sdelay $0x3  }
0x13d: {  	[tilespmem:v3+s9+$0x0] =	vst.idx.msk $0xffff, v2  }
0x13e: {  	v3 =	vor.u32 $0xF801, v0;
	v2 =	vld.idx.msk [tilespmem:v4+s7+$0x0], $0xffff  }
0x13f: {  	v1 =	vadd.s32 $0x1000, v1;
	_ =	sdelay $0x3  }
0x140: {  	[tilespmem:v3+s9+$0x0] =	vst.idx.msk $0xffff, v2  }
0x141: {  	v2 =	vor.u32 $0xF802, v0;
	v1 =	vld.idx.msk [tilespmem:v1+s7+$0x0], $0xffff;
	_ =	sdelay $0x3  }
0x142: {  	p0 =	sne.s32 s6, $0x1  }
.Ltmp0:
0x143: {  	[tilespmem:v2+s9+$0x0] =	vst.idx.msk $0xffff, v1;
	(pc) =	sbr.rel @p0 .LBB2_1-.Ltmp0, $4  }
0x144: {  	[hbm4b:s5+s2] =	stream.linear.scatter [tilespmem:s9], [sflag:$0x1], $0x10000, $0x38;
	[tilespmem:$0x11A00] =	vst v63  }
0x145: {  	_ =	swait.ge [sflag:s8], $0x10000  }
0x146: {  	[sflag:s8] =	ssyncset.done $0x0  }
0x147: {  	s6 =	sadd.s32 $0xFFFFFFFF, s6;
	[sflag:s8] =	ssyncadd.s32 $0xFFFF0000  }
0x148: {  	_ =	sfence.sel $0x180000  }
0x149: {  	[bflag:$0x0] =	sbarrier.arrive $0xFFFF  }
0x14a: {  	p0 =	sne.s32 s1, $0x0;
	_ =	strace $0x90000047  }
0x14b: {  	s0 =	sadd.s32 @!p0 $0x100000, s0;
	[bflag:$0x2] =	sbarrier.arrive $0xFFFF  }
0x14c: {  	[sflag:s0] =	ssyncadd.tile.s32 @!p0 $0x1;
	_ =	shalt  }
.Lfunc_end2:
_tile_overlayer_lowered:
.L_overlay_start_2:
0x14d: {  	(tag) =	ssettag $0x2  }
0x14e: {  	s0 =	rddreg [dreg:$0x0];
	s2 =	stileid.u32  }
0x14f: {  	s1 =	rddreg [dreg:$0x1];
	p0 =	sne.s32 s2, $0x0  }
0x150: {  	s3 =	rddreg [dreg:$0x2];
	[bflag:$0x3] =	sbarrier.arrive $0xFFFF;
	s2 =	simm.s32 @!p0 $0x1C01  }
0x151: {  	[timem:s3], [sflag:s2] =	dma.local @!p0 [hbm:s0], s1  }
0x152: {  	s0 =	simm.s32 @!p0 $0x1  }
0x153: {  	_ =	swait.ge @!p0 [sflag:s0], s1  }
0x154: {  	s1 =	ssub.s32 @!p0 $0x0, s1;
	[sflag:s0] =	ssyncset.done @!p0 $0x0  }
0x155: {  	[sflag:s0] =	ssyncadd.s32 @!p0 s1  }
0x156: {  	[bflag:$0x3] =	sbarrier.arrive $0xFFFF  }
0x157: {  	_ =	shalt  }

</sc_bundles>
